<compile_context>
chip_gen: v7x
topology: tpu7x:2x2x1
jax: 0.10.2.dev20260603
libtpu: 0.0.44.dev20260713+nightly
codegen_flags: <defaults>
</compile_context>

<pallas_src>
import jax
import jax.numpy as jnp
from jax import lax
from jax.experimental import pallas as pl
from jax.experimental.pallas import tpu as pltpu
from jax.experimental.pallas import tpu_sc as plsc

N_OUT = 4096
N_IN = 4096
K = 32
E = 8
D_VAL = 128
P_PAD = 16
ROW_BLK = 256
N_BLKS = N_OUT // ROW_BLK

_NW = 32
_BPW = (N_OUT * K) // _NW
_CHUNK = 128
_NCH = _BPW // _CHUNK


def _topk_body(po_ref, pi_ref, idx_ref, d_ref):
    dx = po_ref[:, 0:1] - pi_ref[0:1, :]
    dy = po_ref[:, 1:2] - pi_ref[1:2, :]
    dz = po_ref[:, 2:3] - pi_ref[2:3, :]
    d_ref[...] = dx * dx + dy * dy + dz * dz
    col = lax.broadcasted_iota(jnp.int32, (ROW_BLK, N_IN), 1)
    kcol = lax.broadcasted_iota(jnp.int32, (ROW_BLK, K), 1)

    def step(k, acc):
        idxv = jnp.argmin(d_ref[...], axis=1).astype(jnp.int32)[:, None]
        d_ref[...] = jnp.where(col == idxv, jnp.float32(jnp.inf), d_ref[...])
        return jnp.where(kcol == k, idxv, acc)

    idx_ref[...] = lax.fori_loop(0, K, step,
                                 jnp.zeros((ROW_BLK, K), jnp.int32))


def _topk(points_out, points_in_t):
    return pl.pallas_call(
        _topk_body,
        grid=(N_BLKS,),
        in_specs=[
            pl.BlockSpec((ROW_BLK, 3), lambda i: (i, 0)),
            pl.BlockSpec((3, N_IN), lambda i: (0, 0)),
        ],
        out_specs=pl.BlockSpec((ROW_BLK, K), lambda i: (i, 0)),
        out_shape=jax.ShapeDtypeStruct((N_OUT, K), jnp.int32),
        scratch_shapes=[pltpu.VMEM((ROW_BLK, N_IN), jnp.float32)],
    )(points_out, points_in_t)


def _sc_gather_body(values_hbm, points_hbm, idx2d_hbm,
                    vals_out, pts_out,
                    idx_v, rows_v, prow_v, sem):
    wid = lax.axis_index("s") * 2 + lax.axis_index("c")
    base = wid * _BPW
    pltpu.sync_copy(idx2d_hbm.at[pl.ds(wid * _NCH, _NCH)], idx_v)

    def gbody(c, carry):
        pltpu.async_copy(values_hbm.at[idx_v.at[c]], rows_v, sem).wait()
        pltpu.sync_copy(rows_v,
                        vals_out.at[pl.ds(base + c * _CHUNK, _CHUNK)])
        pltpu.async_copy(points_hbm.at[idx_v.at[c]], prow_v, sem).wait()
        pltpu.sync_copy(prow_v,
                        pts_out.at[pl.ds(base + c * _CHUNK, _CHUNK)])
        return carry

    lax.fori_loop(0, _NCH, gbody, 0)


def _sc_gather(values_in, points_pad, idx2d):
    mesh = plsc.VectorSubcoreMesh(core_axis_name="c", subcore_axis_name="s")
    fn = pl.kernel(
        _sc_gather_body,
        out_type=(
            jax.ShapeDtypeStruct((N_OUT * K, D_VAL), jnp.float32),
            jax.ShapeDtypeStruct((N_OUT * K, P_PAD), jnp.float32),
        ),
        mesh=mesh,
        compiler_params=pltpu.CompilerParams(use_tc_tiling_on_sc=False),
        scratch_types=[
            pltpu.VMEM((_NCH, _CHUNK), jnp.int32),
            pltpu.VMEM((_CHUNK, D_VAL), jnp.float32),
            pltpu.VMEM((_CHUNK, P_PAD), jnp.float32),
            pltpu.SemaphoreType.DMA,
        ],
    )
    return fn(values_in, points_pad, idx2d)


def _conv_body(po_ref, gp_ref, vals_ref, cen_ref, coefft_ref, bias_ref,
               out_ref, ux_ref, uy_ref, uz_ref):
    ux = po_ref[:, 0:1] - gp_ref[:, :, 0]
    uy = po_ref[:, 1:2] - gp_ref[:, :, 1]
    uz = po_ref[:, 2:3] - gp_ref[:, :, 2]
    ux_ref[...] = ux
    uy_ref[...] = uy
    uz_ref[...] = uz
    vals = vals_ref[...]
    kbs = []
    for e in range(E):
        cx = cen_ref[0:1, e:e + 1]
        cy = cen_ref[1:2, e:e + 1]
        cz = cen_ref[2:3, e:e + 1]
        kbs.append(jnp.exp(-((ux - cx) ** 2 + (uy - cy) ** 2
                             + (uz - cz) ** 2)))
    kb_all = jnp.stack(kbs, axis=1)
    tmp_all = jax.lax.dot_general(
        kb_all, vals,
        dimension_numbers=(((2,), (1,)), ((0,), (0,))),
        preferred_element_type=jnp.float32)
    acc = jnp.zeros((ROW_BLK, D_VAL), jnp.float32)
    for e in range(E):
        acc = acc + jnp.dot(tmp_all[:, e, :], coefft_ref[e],
                            preferred_element_type=jnp.float32)
    out_ref[...] = acc * jnp.float32(1.0 / K) + bias_ref[...]


def _conv(po, gp3, vals_t, cen_t, coefft, bias2d):
    return pl.pallas_call(
        _conv_body,
        grid=(N_BLKS,),
        in_specs=[
            pl.BlockSpec((ROW_BLK, 3), lambda i: (i, 0)),
            pl.BlockSpec((ROW_BLK, K, P_PAD), lambda i: (i, 0, 0)),
            pl.BlockSpec((ROW_BLK, K, D_VAL), lambda i: (i, 0, 0)),
            pl.BlockSpec((3, E), lambda i: (0, 0)),
            pl.BlockSpec((E, D_VAL, D_VAL), lambda i: (0, 0, 0)),
            pl.BlockSpec((1, D_VAL), lambda i: (0, 0)),
        ],
        out_specs=[
            pl.BlockSpec((ROW_BLK, D_VAL), lambda i: (i, 0)),
            pl.BlockSpec((ROW_BLK, K), lambda i: (i, 0)),
            pl.BlockSpec((ROW_BLK, K), lambda i: (i, 0)),
            pl.BlockSpec((ROW_BLK, K), lambda i: (i, 0)),
        ],
        out_shape=[
            jax.ShapeDtypeStruct((N_OUT, D_VAL), jnp.float32),
            jax.ShapeDtypeStruct((N_OUT, K), jnp.float32),
            jax.ShapeDtypeStruct((N_OUT, K), jnp.float32),
            jax.ShapeDtypeStruct((N_OUT, K), jnp.float32),
        ],
    )(po, gp3, vals_t, cen_t, coefft, bias2d)


def kernel(points_in, values_in, points_out, coeff, bias, rbf_centers):
    pi_t = points_in.T
    idx = _topk(points_out, pi_t)
    idx2d = idx.reshape(-1, _CHUNK)
    points_pad = jnp.pad(points_in, ((0, 0), (0, P_PAD - 3)))
    vals_k, pts_k = _sc_gather(values_in, points_pad, idx2d)
    out, ux, uy, uz = _conv(
        points_out,
        pts_k.reshape(N_OUT, K, P_PAD),
        vals_k.reshape(N_OUT, K, D_VAL),
        rbf_centers.T, jnp.transpose(coeff, (2, 0, 1)),
        bias.reshape(1, D_VAL))
    uiv = jnp.stack([ux, uy, uz], axis=-1)
    return (uiv, idx.astype(jnp.int64), out)

# --- scband reference (transcript-rebuilt; emitter-appended) ---
"""Pipeline reference for scband-conv-31447750541738 (READ-ONLY COPY).

The authoritative reference and input builder live on the scoring server;
editing this copy changes nothing except your own understanding.
"""

import jax, jax.numpy as jnp
import numpy as np

KNN = 32
NUM_ELEMS = 8
RBF_GAMMA = 1.0

def setup_inputs(seed: int = 0) -> dict:
    key = jax.random.key(seed)
    k1, k2, k3, k4, k5, k6 = jax.random.split(key, 6)
    points_in = jax.random.normal(k1, (4096, 3), dtype=jnp.float32)
    values_in = jax.random.normal(k2, (4096, 128), dtype=jnp.float32)
    points_out = jax.random.normal(k3, (4096, 3), dtype=jnp.float32)
    coeff = jax.random.normal(k4, (128, 128, NUM_ELEMS), dtype=jnp.float32)
    bias = jax.random.normal(k5, (128,), dtype=jnp.float32)
    rbf_centers = 0.5 * jax.random.normal(k6, (NUM_ELEMS, 3), dtype=jnp.float32)
    return {"points_in": points_in, "values_in": values_in, "points_out": points_out,
            "coeff": coeff, "bias": bias, "rbf_centers": rbf_centers}

def _kernel_basis(u_inverse_v, rbf_centers):
    # Gaussian RBF basis over relative positions: [..., V, K, num_elems]
    diff = u_inverse_v[..., None, :] - rbf_centers  # [V, K, E, 3]
    return jnp.exp(-RBF_GAMMA * jnp.sum(diff * diff, axis=-1))

def reference(points_in, values_in, points_out, coeff, bias, rbf_centers):
    # Translation group (Rn): lift = identity, inverse = negation,
    # apply(inverse(u), v) = v - u  -> relative positions (no_grad in original)
    u_inverse_v_full = jax.lax.stop_gradient(
        points_out[:, None, :] - points_in[None, :, :])  # [V_out, V_in, 3]
    norms = jnp.linalg.norm(u_inverse_v_full, axis=-1)    # [V_out, V_in]
    # k smallest norms -> knn indices
    _, indices = jax.lax.top_k(-norms, KNN)               # [V_out, KNN]
    u_inverse_v = jnp.take_along_axis(
        u_inverse_v_full, indices[..., None], axis=1)     # [V_out, KNN, 3]
    # det(Rn) == 1 (not a tensor) -> no division; not a GeneralizedDomainTransform
    # gather neighbor values: values_in unsqueezed/expanded then gathered
    vals_k = values_in[indices]                           # [V_out, KNN, 128]
    kernel_b = _kernel_basis(u_inverse_v, rbf_centers)    # [V_out, KNN, E]
    out = jnp.einsum('ioe,vue,vui->vo', coeff, kernel_b, vals_k) / vals_k.shape[-2]
    out = out + bias
    return (u_inverse_v, indices.astype(jnp.int64), out)

if __name__ == "__main__":
    import jax
    _d = setup_inputs()
    print(jax.jit(kernel)(*tuple(_d.values())))

</pallas_src>

<mosaic_0001>
#map = affine_map<(d0, d1) -> (0, 0)>
module attributes {stable_mosaic.version = 14 : i64} {
  func.func @_sc_gather_body(%arg0: i32, %arg1: i32, %arg2: memref<4096x128xf32, #tpu.memory_space<hbm>>, %arg3: memref<4096x16xf32, #tpu.memory_space<hbm>>, %arg4: memref<1024x128xi32, #tpu.memory_space<hbm>>, %arg5: memref<131072x128xf32, #tpu.memory_space<hbm>>, %arg6: memref<131072x16xf32, #tpu.memory_space<hbm>>, %arg7: memref<32x128xi32, #tpu.memory_space<vmem>>, %arg8: memref<128x128xf32, #tpu.memory_space<vmem>>, %arg9: memref<128x16xf32, #tpu.memory_space<vmem>>, %arg10: memref<!tpu.dma_semaphore, #tpu.memory_space<semaphore_mem>>) attributes {dimension_semantics = [#tpu.dimension_semantics<core_parallel>, #tpu.dimension_semantics<subcore_parallel>], iteration_bounds = array<i64: 2, 16>, scalar_prefetch = 0 : i64, scratch_operands = 4 : i64, tpu.core_type = #tpu.core_type<sc_vector_subcore>, window_params = [{transform_indices = #map}, {transform_indices = #map}, {transform_indices = #map}, {transform_indices = #map}, {transform_indices = #map}]} {
    %mul3A = arith.constant 2 : i32
    %mul3A_0 = arith.muli %arg1, %mul3A : i32
    %add3A = arith.addi %mul3A_0, %arg0 : i32
    %mul3A_1 = arith.constant 4096 : i32
    %mul3A_2 = arith.muli %add3A, %mul3A_1 : i32
    %mul3A_3 = arith.constant 32 : i32
    %mul3A_4 = arith.muli %add3A, %mul3A_3 : i32
    "tpu.region"() ({
      %run_scoped3A = tpu.sem_alloc : memref<!tpu.dma_semaphore, #tpu.memory_space<semaphore_mem>>
      %dma_start3A = arith.constant 0 : i32
      %dma_start3A_10 = tpu.memref_slice %arg4[%mul3A_4, %dma_start3A] : memref<1024x128xi32, #tpu.memory_space<hbm>> -> memref<32x128xi32, #tpu.memory_space<hbm>>
      %dma_start3A_11 = arith.constant 0 : i32
      %dma_start3A_12 = tpu.memref_slice %arg4[%mul3A_4, %dma_start3A_11] : memref<1024x128xi32, #tpu.memory_space<hbm>> -> memref<32x128xi32, #tpu.memory_space<hbm>>
      tpu.enqueue_dma source(%dma_start3A_12 : memref<32x128xi32, #tpu.memory_space<hbm>>) target(%arg7 : memref<32x128xi32, #tpu.memory_space<vmem>>) target_semaphore(%run_scoped3A : memref<!tpu.dma_semaphore, #tpu.memory_space<semaphore_mem>>)
      %dma_wait3A = arith.constant 0 : i32
      %dma_wait3A_13 = tpu.memref_slice %arg4[%mul3A_4, %dma_wait3A] : memref<1024x128xi32, #tpu.memory_space<hbm>> -> memref<32x128xi32, #tpu.memory_space<hbm>>
      %dma_wait3A_14 = arith.constant 0 : i32
      %dma_wait3A_15 = tpu.memref_slice %arg4[%mul3A_4, %dma_wait3A_14] : memref<1024x128xi32, #tpu.memory_space<hbm>> -> memref<32x128xi32, #tpu.memory_space<hbm>>
      tpu.wait_dma2 semaphore(%run_scoped3A : memref<!tpu.dma_semaphore, #tpu.memory_space<semaphore_mem>>) src(%dma_wait3A_15 : memref<32x128xi32, #tpu.memory_space<hbm>>) dst(%arg7 : memref<32x128xi32, #tpu.memory_space<vmem>>)
      tpu.yield
    }) : () -> ()
    %scan3A = arith.constant 0 : i32
    %scan3A_5 = arith.constant 0 : i32
    %scan3A_6 = arith.constant 32 : i32
    %scan3A_7 = arith.addi %scan3A_5, %scan3A_6 : i32
    %scan3A_8 = arith.constant 1 : i32
    scf.for %scan3A_10 = %scan3A_5 to %scan3A_7 step %scan3A_8  : i32 {
      %dma_start3A = arith.constant 0 : i32
      %dma_start3A_11 = tpu.memref_slice %arg7[%scan3A_10, %dma_start3A] : memref<32x128xi32, #tpu.memory_space<vmem>> -> memref<1x128xi32, #tpu.memory_space<vmem>>
      %dma_start3A_12 = tpu.memref_squeeze %dma_start3A_11 : memref<1x128xi32, #tpu.memory_space<vmem>> -> memref<128xi32, #tpu.memory_space<vmem>>
      %dma_start3A_13 = arith.constant 0 : i32
      %dma_start3A_14 = arith.constant 0 : i32
      %dma_start3A_15 = tpu.memref_slice %arg2[%dma_start3A_13, %dma_start3A_14] : memref<4096x128xf32, #tpu.memory_space<hbm>> -> memref<4096x128xf32, #tpu.memory_space<hbm>>
      tpu.enqueue_indirect_dma source(%dma_start3A_15 : memref<4096x128xf32, #tpu.memory_space<hbm>>) target(%arg8 : memref<128x128xf32, #tpu.memory_space<vmem>>) offsets(%dma_start3A_12 : memref<128xi32, #tpu.memory_space<vmem>>) semaphore(%arg10 : memref<!tpu.dma_semaphore, #tpu.memory_space<semaphore_mem>>)
      %dma_wait3A = arith.constant 0 : i32
      %dma_wait3A_16 = tpu.memref_slice %arg7[%scan3A_10, %dma_wait3A] : memref<32x128xi32, #tpu.memory_space<vmem>> -> memref<1x128xi32, #tpu.memory_space<vmem>>
      %dma_wait3A_17 = tpu.memref_squeeze %dma_wait3A_16 : memref<1x128xi32, #tpu.memory_space<vmem>> -> memref<128xi32, #tpu.memory_space<vmem>>
      %dma_wait3A_18 = arith.constant 0 : i32
      %dma_wait3A_19 = arith.constant 0 : i32
      %dma_wait3A_20 = tpu.memref_slice %arg2[%dma_wait3A_18, %dma_wait3A_19] : memref<4096x128xf32, #tpu.memory_space<hbm>> -> memref<4096x128xf32, #tpu.memory_space<hbm>>
      tpu.wait_indirect_dma semaphore(%arg10 : memref<!tpu.dma_semaphore, #tpu.memory_space<semaphore_mem>>) src(%dma_wait3A_20 : memref<4096x128xf32, #tpu.memory_space<hbm>>) dst(%arg8 : memref<128x128xf32, #tpu.memory_space<vmem>>)
      %mul3A_21 = arith.constant 128 : i32
      %mul3A_22 = arith.muli %scan3A_10, %mul3A_21 : i32
      %add3A_23 = arith.addi %mul3A_2, %mul3A_22 : i32
      "tpu.region"() ({
        %run_scoped3A = tpu.sem_alloc : memref<!tpu.dma_semaphore, #tpu.memory_space<semaphore_mem>>
        %dma_start3A_39 = arith.constant 0 : i32
        %dma_start3A_40 = tpu.memref_slice %arg5[%add3A_23, %dma_start3A_39] : memref<131072x128xf32, #tpu.memory_space<hbm>> -> memref<128x128xf32, #tpu.memory_space<hbm>>
        %dma_start3A_41 = arith.constant 0 : i32
        %dma_start3A_42 = tpu.memref_slice %arg5[%add3A_23, %dma_start3A_41] : memref<131072x128xf32, #tpu.memory_space<hbm>> -> memref<128x128xf32, #tpu.memory_space<hbm>>
        tpu.enqueue_dma source(%arg8 : memref<128x128xf32, #tpu.memory_space<vmem>>) target(%dma_start3A_42 : memref<128x128xf32, #tpu.memory_space<hbm>>) target_semaphore(%run_scoped3A : memref<!tpu.dma_semaphore, #tpu.memory_space<semaphore_mem>>)
        %dma_wait3A_43 = arith.constant 0 : i32
        %dma_wait3A_44 = tpu.memref_slice %arg5[%add3A_23, %dma_wait3A_43] : memref<131072x128xf32, #tpu.memory_space<hbm>> -> memref<128x128xf32, #tpu.memory_space<hbm>>
        %dma_wait3A_45 = arith.constant 0 : i32
        %dma_wait3A_46 = tpu.memref_slice %arg5[%add3A_23, %dma_wait3A_45] : memref<131072x128xf32, #tpu.memory_space<hbm>> -> memref<128x128xf32, #tpu.memory_space<hbm>>
        tpu.wait_dma2 semaphore(%run_scoped3A : memref<!tpu.dma_semaphore, #tpu.memory_space<semaphore_mem>>) src(%arg8 : memref<128x128xf32, #tpu.memory_space<vmem>>) dst(%dma_wait3A_46 : memref<128x128xf32, #tpu.memory_space<hbm>>)
        tpu.yield
      }) : () -> ()
      %dma_start3A_24 = arith.constant 0 : i32
      %dma_start3A_25 = tpu.memref_slice %arg7[%scan3A_10, %dma_start3A_24] : memref<32x128xi32, #tpu.memory_space<vmem>> -> memref<1x128xi32, #tpu.memory_space<vmem>>
      %dma_start3A_26 = tpu.memref_squeeze %dma_start3A_25 : memref<1x128xi32, #tpu.memory_space<vmem>> -> memref<128xi32, #tpu.memory_space<vmem>>
      %dma_start3A_27 = arith.constant 0 : i32
      %dma_start3A_28 = arith.constant 0 : i32
      %dma_start3A_29 = tpu.memref_slice %arg3[%dma_start3A_27, %dma_start3A_28] : memref<4096x16xf32, #tpu.memory_space<hbm>> -> memref<4096x16xf32, #tpu.memory_space<hbm>>
      tpu.enqueue_indirect_dma source(%dma_start3A_29 : memref<4096x16xf32, #tpu.memory_space<hbm>>) target(%arg9 : memref<128x16xf32, #tpu.memory_space<vmem>>) offsets(%dma_start3A_26 : memref<128xi32, #tpu.memory_space<vmem>>) semaphore(%arg10 : memref<!tpu.dma_semaphore, #tpu.memory_space<semaphore_mem>>)
      %dma_wait3A_30 = arith.constant 0 : i32
      %dma_wait3A_31 = tpu.memref_slice %arg7[%scan3A_10, %dma_wait3A_30] : memref<32x128xi32, #tpu.memory_space<vmem>> -> memref<1x128xi32, #tpu.memory_space<vmem>>
      %dma_wait3A_32 = tpu.memref_squeeze %dma_wait3A_31 : memref<1x128xi32, #tpu.memory_space<vmem>> -> memref<128xi32, #tpu.memory_space<vmem>>
      %dma_wait3A_33 = arith.constant 0 : i32
      %dma_wait3A_34 = arith.constant 0 : i32
      %dma_wait3A_35 = tpu.memref_slice %arg3[%dma_wait3A_33, %dma_wait3A_34] : memref<4096x16xf32, #tpu.memory_space<hbm>> -> memref<4096x16xf32, #tpu.memory_space<hbm>>
      tpu.wait_indirect_dma semaphore(%arg10 : memref<!tpu.dma_semaphore, #tpu.memory_space<semaphore_mem>>) src(%dma_wait3A_35 : memref<4096x16xf32, #tpu.memory_space<hbm>>) dst(%arg9 : memref<128x16xf32, #tpu.memory_space<vmem>>)
      %mul3A_36 = arith.constant 128 : i32
      %mul3A_37 = arith.muli %scan3A_10, %mul3A_36 : i32
      %add3A_38 = arith.addi %mul3A_2, %mul3A_37 : i32
      "tpu.region"() ({
        %run_scoped3A = tpu.sem_alloc : memref<!tpu.dma_semaphore, #tpu.memory_space<semaphore_mem>>
        %dma_start3A_39 = arith.constant 0 : i32
        %dma_start3A_40 = tpu.memref_slice %arg6[%add3A_38, %dma_start3A_39] : memref<131072x16xf32, #tpu.memory_space<hbm>> -> memref<128x16xf32, #tpu.memory_space<hbm>>
        %dma_start3A_41 = arith.constant 0 : i32
        %dma_start3A_42 = tpu.memref_slice %arg6[%add3A_38, %dma_start3A_41] : memref<131072x16xf32, #tpu.memory_space<hbm>> -> memref<128x16xf32, #tpu.memory_space<hbm>>
        tpu.enqueue_dma source(%arg9 : memref<128x16xf32, #tpu.memory_space<vmem>>) target(%dma_start3A_42 : memref<128x16xf32, #tpu.memory_space<hbm>>) target_semaphore(%run_scoped3A : memref<!tpu.dma_semaphore, #tpu.memory_space<semaphore_mem>>)
        %dma_wait3A_43 = arith.constant 0 : i32
        %dma_wait3A_44 = tpu.memref_slice %arg6[%add3A_38, %dma_wait3A_43] : memref<131072x16xf32, #tpu.memory_space<hbm>> -> memref<128x16xf32, #tpu.memory_space<hbm>>
        %dma_wait3A_45 = arith.constant 0 : i32
        %dma_wait3A_46 = tpu.memref_slice %arg6[%add3A_38, %dma_wait3A_45] : memref<131072x16xf32, #tpu.memory_space<hbm>> -> memref<128x16xf32, #tpu.memory_space<hbm>>
        tpu.wait_dma2 semaphore(%run_scoped3A : memref<!tpu.dma_semaphore, #tpu.memory_space<semaphore_mem>>) src(%arg9 : memref<128x16xf32, #tpu.memory_space<vmem>>) dst(%dma_wait3A_46 : memref<128x16xf32, #tpu.memory_space<hbm>>)
        tpu.yield
      }) : () -> ()
    }
    %scan3A_9 = arith.constant 32 : i32
    return
  }
}

module attributes {stable_mosaic.version = 14 : i64} {
  func.func @_topk_body(%arg0: i32, %arg1: memref<256x3xf32, #tpu.memory_space<vmem>>, %arg2: memref<3x4096xf32, #tpu.memory_space<vmem>>, %arg3: memref<256x32xi32, #tpu.memory_space<vmem>>, %arg4: memref<256x4096xf32, #tpu.memory_space<vmem>>) attributes {dimension_semantics = [#tpu.dimension_semantics<arbitrary>], iteration_bounds = array<i64: 16>, scalar_prefetch = 0 : i64, scratch_operands = 1 : i64, tpu.core_type = #tpu.core_type<tc>, window_params = [{transform_indices = @transform_0, window_bounds = array<i64: 256, 3>}, {pipeline_mode = #tpu.pipeline_mode<synchronous>, transform_indices = @transform_1, window_bounds = array<i64: 3, 4096>}, {transform_indices = @transform_2, window_bounds = array<i64: 256, 32>}]} {
    %get3A = arith.constant 0 : index
    %get3A_0 = arith.constant 0 : index
    %get3A_1 = vector.load %arg1[%get3A, %get3A_0] : memref<256x3xf32, #tpu.memory_space<vmem>>, vector<256x1xf32>
    %get3A_2 = arith.constant 0 : index
    %get3A_3 = arith.constant 0 : index
    %get3A_4 = vector.load %arg2[%get3A_2, %get3A_3] : memref<3x4096xf32, #tpu.memory_space<vmem>>, vector<1x4096xf32>
    %sub3A = vector.broadcast %get3A_1 : vector<256x1xf32> to vector<256x4096xf32>
    %sub3A_5 = vector.broadcast %get3A_4 : vector<1x4096xf32> to vector<256x4096xf32>
    %sub3A_6 = arith.subf %sub3A, %sub3A_5 : vector<256x4096xf32>
    %get3A_7 = arith.constant 0 : index
    %get3A_8 = arith.constant 1 : index
    %get3A_9 = vector.load %arg1[%get3A_7, %get3A_8] : memref<256x3xf32, #tpu.memory_space<vmem>>, vector<256x1xf32>
    %get3A_10 = arith.constant 1 : index
    %get3A_11 = arith.constant 0 : index
    %get3A_12 = vector.load %arg2[%get3A_10, %get3A_11] : memref<3x4096xf32, #tpu.memory_space<vmem>>, vector<1x4096xf32>
    %sub3A_13 = vector.broadcast %get3A_9 : vector<256x1xf32> to vector<256x4096xf32>
    %sub3A_14 = vector.broadcast %get3A_12 : vector<1x4096xf32> to vector<256x4096xf32>
    %sub3A_15 = arith.subf %sub3A_13, %sub3A_14 : vector<256x4096xf32>
    %get3A_16 = arith.constant 0 : index
    %get3A_17 = arith.constant 2 : index
    %get3A_18 = vector.load %arg1[%get3A_16, %get3A_17] : memref<256x3xf32, #tpu.memory_space<vmem>>, vector<256x1xf32>
    %get3A_19 = arith.constant 2 : index
    %get3A_20 = arith.constant 0 : index
    %get3A_21 = vector.load %arg2[%get3A_19, %get3A_20] : memref<3x4096xf32, #tpu.memory_space<vmem>>, vector<1x4096xf32>
    %sub3A_22 = vector.broadcast %get3A_18 : vector<256x1xf32> to vector<256x4096xf32>
    %sub3A_23 = vector.broadcast %get3A_21 : vector<1x4096xf32> to vector<256x4096xf32>
    %sub3A_24 = arith.subf %sub3A_22, %sub3A_23 : vector<256x4096xf32>
    %mul3A = arith.mulf %sub3A_6, %sub3A_6 : vector<256x4096xf32>
    %mul3A_25 = arith.mulf %sub3A_15, %sub3A_15 : vector<256x4096xf32>
    %add3A = arith.addf %mul3A, %mul3A_25 : vector<256x4096xf32>
    %mul3A_26 = arith.mulf %sub3A_24, %sub3A_24 : vector<256x4096xf32>
    %add3A_27 = arith.addf %add3A, %mul3A_26 : vector<256x4096xf32>
    %swap3A = arith.constant 0 : index
    %swap3A_28 = arith.constant 0 : index
    %swap3A_29 = vector.load %arg4[%swap3A, %swap3A_28] : memref<256x4096xf32, #tpu.memory_space<vmem>>, vector<256x4096xf32>
    tpu.vector_store %arg4[%swap3A, %swap3A_28], %add3A_27 {strides = array<i32>} : memref<256x4096xf32, #tpu.memory_space<vmem>>, vector<256x4096xf32>,
    %iota3A = tpu.iota {dimensions = array<i32: 1>} : vector<256x4096xi32>
    %iota3A_30 = tpu.iota {dimensions = array<i32: 1>} : vector<256x32xi32>
    %broadcast_in_dim3A = arith.constant 0 : i32
    %broadcast_in_dim3A_31 = vector.broadcast %broadcast_in_dim3A : i32 to vector<256x32xi32>
    %scan3A = arith.constant 0 : i32
    %scan3A_32 = arith.constant 32 : i32
    %scan3A_33 = arith.addi %scan3A, %scan3A_32 : i32
    %scan3A_34 = arith.constant 1 : i32
    %scan3A_35 = scf.for %scan3A_40 = %scan3A to %scan3A_33 step %scan3A_34 iter_args(%scan3A_41 = %broadcast_in_dim3A_31) -> (vector<256x32xi32>)  : i32 {
      %get3A_42 = arith.constant 0 : index
      %get3A_43 = arith.constant 0 : index
      %get3A_44 = vector.load %arg4[%get3A_42, %get3A_43] : memref<256x4096xf32, #tpu.memory_space<vmem>>, vector<256x4096xf32>
      %argmin3A = tpu.reduce_index %get3A_44 {axis = 1 : i32, kind = #tpu.reduction_kind<arg_min>} : vector<256x4096xf32> -> vector<256xi32>
      %broadcast_in_dim3A_45 = vector.shape_cast %argmin3A : vector<256xi32> to vector<256x1xi32>
      %eq3A = vector.broadcast %broadcast_in_dim3A_45 : vector<256x1xi32> to vector<256x4096xi32>
      %eq3A_46 = arith.cmpi eq, %iota3A, %eq3A : vector<256x4096xi32>
      %get3A_47 = arith.constant 0 : index
      %get3A_48 = arith.constant 0 : index
      %get3A_49 = vector.load %arg4[%get3A_47, %get3A_48] : memref<256x4096xf32, #tpu.memory_space<vmem>>, vector<256x4096xf32>
      %jit3A = arith.constant 0x7F800000 : f32
      %broadcast_in_dim3A_50 = vector.broadcast %jit3A : f32 to vector<256x4096xf32>
      %select_n3A = arith.select %eq3A_46, %broadcast_in_dim3A_50, %get3A_49 : vector<256x4096xi1>, vector<256x4096xf32>
      %swap3A_51 = arith.constant 0 : index
      %swap3A_52 = arith.constant 0 : index
      %swap3A_53 = vector.load %arg4[%swap3A_51, %swap3A_52] : memref<256x4096xf32, #tpu.memory_space<vmem>>, vector<256x4096xf32>
      tpu.vector_store %arg4[%swap3A_51, %swap3A_52], %select_n3A {strides = array<i32>} : memref<256x4096xf32, #tpu.memory_space<vmem>>, vector<256x4096xf32>,
      %eq3A_54 = vector.broadcast %scan3A_40 : i32 to vector<256x32xi32>
      %eq3A_55 = arith.cmpi eq, %iota3A_30, %eq3A_54 : vector<256x32xi32>
      %broadcast_in_dim3A_56 = vector.shape_cast %broadcast_in_dim3A_45 : vector<256x1xi32> to vector<256x1xi32>
      %broadcast_in_dim3A_57 = vector.broadcast %broadcast_in_dim3A_56 : vector<256x1xi32> to vector<256x32xi32>
      %select_n3A_58 = arith.select %eq3A_55, %broadcast_in_dim3A_57, %scan3A_41 : vector<256x32xi1>, vector<256x32xi32>
      scf.yield %select_n3A_58 : vector<256x32xi32>
    }
    %scan3A_36 = arith.constant 32 : i32
    %swap3A_37 = arith.constant 0 : index
    %swap3A_38 = arith.constant 0 : index
    %swap3A_39 = vector.load %arg3[%swap3A_37, %swap3A_38] : memref<256x32xi32, #tpu.memory_space<vmem>>, vector<256x32xi32>
    tpu.vector_store %arg3[%swap3A_37, %swap3A_38], %scan3A_35 {strides = array<i32>} : memref<256x32xi32, #tpu.memory_space<vmem>>, vector<256x32xi32>,
    return
  }
  func.func @transform_0(%arg0: i32) -> (i32, i32) {
    %c0_i32 = arith.constant 0 : i32
    %c0_i32_0 = arith.constant 0 : i32
    return %arg0, %c0_i32 : i32, i32
  }
  func.func @transform_1(%arg0: i32) -> (i32, i32) {
    %c0_i32 = arith.constant 0 : i32
    %c0_i32_0 = arith.constant 0 : i32
    %c0_i32_1 = arith.constant 0 : i32
    return %c0_i32, %c0_i32_0 : i32, i32
  }
  func.func @transform_2(%arg0: i32) -> (i32, i32) {
    %c0_i32 = arith.constant 0 : i32
    %c0_i32_0 = arith.constant 0 : i32
    return %arg0, %c0_i32 : i32, i32
  }
}

module attributes {stable_mosaic.version = 14 : i64} {
  func.func @_conv_body(%arg0: i32, %arg1: memref<256x3xf32, #tpu.memory_space<vmem>>, %arg2: memref<256x32x16xf32, #tpu.memory_space<vmem>>, %arg3: memref<256x32x128xf32, #tpu.memory_space<vmem>>, %arg4: memref<3x8xf32, #tpu.memory_space<vmem>>, %arg5: memref<8x128x128xf32, #tpu.memory_space<vmem>>, %arg6: memref<1x128xf32, #tpu.memory_space<vmem>>, %arg7: memref<256x128xf32, #tpu.memory_space<vmem>>, %arg8: memref<256x32xf32, #tpu.memory_space<vmem>>, %arg9: memref<256x32xf32, #tpu.memory_space<vmem>>, %arg10: memref<256x32xf32, #tpu.memory_space<vmem>>) attributes {dimension_semantics = [#tpu.dimension_semantics<arbitrary>], iteration_bounds = array<i64: 16>, scalar_prefetch = 0 : i64, scratch_operands = 0 : i64, tpu.core_type = #tpu.core_type<tc>, window_params = [{transform_indices = @transform_0, window_bounds = array<i64: 256, 3>}, {transform_indices = @transform_1, window_bounds = array<i64: 256, 32, 16>}, {transform_indices = @transform_2, window_bounds = array<i64: 256, 32, 128>}, {pipeline_mode = #tpu.pipeline_mode<synchronous>, transform_indices = @transform_3, window_bounds = array<i64: 3, 8>}, {pipeline_mode = #tpu.pipeline_mode<synchronous>, transform_indices = @transform_4, window_bounds = array<i64: 8, 128, 128>}, {pipeline_mode = #tpu.pipeline_mode<synchronous>, transform_indices = @transform_5, window_bounds = array<i64: 1, 128>}, {transform_indices = @transform_6, window_bounds = array<i64: 256, 128>}, {transform_indices = @transform_7, window_bounds = array<i64: 256, 32>}, {transform_indices = @transform_8, window_bounds = array<i64: 256, 32>}, {transform_indices = @transform_9, window_bounds = array<i64: 256, 32>}]} {
    %get3A = arith.constant 0 : index
    %get3A_0 = arith.constant 0 : index
    %get3A_1 = vector.load %arg1[%get3A, %get3A_0] : memref<256x3xf32, #tpu.memory_space<vmem>>, vector<256x1xf32>
    %get3A_2 = arith.constant 0 : index
    %get3A_3 = arith.constant 0 : index
    %get3A_4 = arith.constant 0 : index
    %get3A_5 = vector.load %arg2[%get3A_2, %get3A_3, %get3A_4] : memref<256x32x16xf32, #tpu.memory_space<vmem>>, vector<256x32x1xf32>
    %get3A_6 = vector.shape_cast %get3A_5 : vector<256x32x1xf32> to vector<256x32xf32>
    %sub3A = vector.broadcast %get3A_1 : vector<256x1xf32> to vector<256x32xf32>
    %sub3A_7 = arith.subf %sub3A, %get3A_6 : vector<256x32xf32>
    %get3A_8 = arith.constant 0 : index
    %get3A_9 = arith.constant 1 : index
    %get3A_10 = vector.load %arg1[%get3A_8, %get3A_9] : memref<256x3xf32, #tpu.memory_space<vmem>>, vector<256x1xf32>
    %get3A_11 = arith.constant 0 : index
    %get3A_12 = arith.constant 0 : index
    %get3A_13 = arith.constant 1 : index
    %get3A_14 = vector.load %arg2[%get3A_11, %get3A_12, %get3A_13] : memref<256x32x16xf32, #tpu.memory_space<vmem>>, vector<256x32x1xf32>
    %get3A_15 = vector.shape_cast %get3A_14 : vector<256x32x1xf32> to vector<256x32xf32>
    %sub3A_16 = vector.broadcast %get3A_10 : vector<256x1xf32> to vector<256x32xf32>
    %sub3A_17 = arith.subf %sub3A_16, %get3A_15 : vector<256x32xf32>
    %get3A_18 = arith.constant 0 : index
    %get3A_19 = arith.constant 2 : index
    %get3A_20 = vector.load %arg1[%get3A_18, %get3A_19] : memref<256x3xf32, #tpu.memory_space<vmem>>, vector<256x1xf32>
    %get3A_21 = arith.constant 0 : index
    %get3A_22 = arith.constant 0 : index
    %get3A_23 = arith.constant 2 : index
    %get3A_24 = vector.load %arg2[%get3A_21, %get3A_22, %get3A_23] : memref<256x32x16xf32, #tpu.memory_space<vmem>>, vector<256x32x1xf32>
    %get3A_25 = vector.shape_cast %get3A_24 : vector<256x32x1xf32> to vector<256x32xf32>
    %sub3A_26 = vector.broadcast %get3A_20 : vector<256x1xf32> to vector<256x32xf32>
    %sub3A_27 = arith.subf %sub3A_26, %get3A_25 : vector<256x32xf32>
    %swap3A = arith.constant 0 : index
    %swap3A_28 = arith.constant 0 : index
    %swap3A_29 = vector.load %arg8[%swap3A, %swap3A_28] : memref<256x32xf32, #tpu.memory_space<vmem>>, vector<256x32xf32>
    tpu.vector_store %arg8[%swap3A, %swap3A_28], %sub3A_7 {strides = array<i32>} : memref<256x32xf32, #tpu.memory_space<vmem>>, vector<256x32xf32>,
    %swap3A_30 = arith.constant 0 : index
    %swap3A_31 = arith.constant 0 : index
    %swap3A_32 = vector.load %arg9[%swap3A_30, %swap3A_31] : memref<256x32xf32, #tpu.memory_space<vmem>>, vector<256x32xf32>
    tpu.vector_store %arg9[%swap3A_30, %swap3A_31], %sub3A_17 {strides = array<i32>} : memref<256x32xf32, #tpu.memory_space<vmem>>, vector<256x32xf32>,
    %swap3A_33 = arith.constant 0 : index
    %swap3A_34 = arith.constant 0 : index
    %swap3A_35 = vector.load %arg10[%swap3A_33, %swap3A_34] : memref<256x32xf32, #tpu.memory_space<vmem>>, vector<256x32xf32>
    tpu.vector_store %arg10[%swap3A_33, %swap3A_34], %sub3A_27 {strides = array<i32>} : memref<256x32xf32, #tpu.memory_space<vmem>>, vector<256x32xf32>,
    %get3A_36 = arith.constant 0 : index
    %get3A_37 = arith.constant 0 : index
    %get3A_38 = arith.constant 0 : index
    %get3A_39 = vector.load %arg3[%get3A_36, %get3A_37, %get3A_38] : memref<256x32x128xf32, #tpu.memory_space<vmem>>, vector<256x32x128xf32>
    %get3A_40 = arith.constant 0 : index
    %get3A_41 = arith.constant 0 : index
    %get3A_42 = vector.load %arg4[%get3A_40, %get3A_41] : memref<3x8xf32, #tpu.memory_space<vmem>>, vector<1x1xf32>
    %get3A_43 = arith.constant 1 : index
    %get3A_44 = arith.constant 0 : index
    %get3A_45 = vector.load %arg4[%get3A_43, %get3A_44] : memref<3x8xf32, #tpu.memory_space<vmem>>, vector<1x1xf32>
    %get3A_46 = arith.constant 2 : index
    %get3A_47 = arith.constant 0 : index
    %get3A_48 = vector.load %arg4[%get3A_46, %get3A_47] : memref<3x8xf32, #tpu.memory_space<vmem>>, vector<1x1xf32>
    %sub3A_49 = vector.broadcast %get3A_42 : vector<1x1xf32> to vector<256x32xf32>
    %sub3A_50 = arith.subf %sub3A_7, %sub3A_49 : vector<256x32xf32>
    %integer_pow3A = arith.mulf %sub3A_50, %sub3A_50 : vector<256x32xf32>
    %sub3A_51 = vector.broadcast %get3A_45 : vector<1x1xf32> to vector<256x32xf32>
    %sub3A_52 = arith.subf %sub3A_17, %sub3A_51 : vector<256x32xf32>
    %integer_pow3A_53 = arith.mulf %sub3A_52, %sub3A_52 : vector<256x32xf32>
    %add3A = arith.addf %integer_pow3A, %integer_pow3A_53 : vector<256x32xf32>
    %sub3A_54 = vector.broadcast %get3A_48 : vector<1x1xf32> to vector<256x32xf32>
    %sub3A_55 = arith.subf %sub3A_27, %sub3A_54 : vector<256x32xf32>
    %integer_pow3A_56 = arith.mulf %sub3A_55, %sub3A_55 : vector<256x32xf32>
    %add3A_57 = arith.addf %add3A, %integer_pow3A_56 : vector<256x32xf32>
    %neg3A = arith.constant 0.000000e+00 : f32
    %neg3A_58 = vector.broadcast %neg3A : f32 to vector<256x32xf32>
    %neg3A_59 = arith.subf %neg3A_58, %add3A_57 : vector<256x32xf32>
    %exp3A = math.exp %neg3A_59 : vector<256x32xf32>
    %get3A_60 = arith.constant 0 : index
    %get3A_61 = arith.constant 1 : index
    %get3A_62 = vector.load %arg4[%get3A_60, %get3A_61] : memref<3x8xf32, #tpu.memory_space<vmem>>, vector<1x1xf32>
    %get3A_63 = arith.constant 1 : index
    %get3A_64 = arith.constant 1 : index
    %get3A_65 = vector.load %arg4[%get3A_63, %get3A_64] : memref<3x8xf32, #tpu.memory_space<vmem>>, vector<1x1xf32>
    %get3A_66 = arith.constant 2 : index
    %get3A_67 = arith.constant 1 : index
    %get3A_68 = vector.load %arg4[%get3A_66, %get3A_67] : memref<3x8xf32, #tpu.memory_space<vmem>>, vector<1x1xf32>
    %sub3A_69 = vector.broadcast %get3A_62 : vector<1x1xf32> to vector<256x32xf32>
    %sub3A_70 = arith.subf %sub3A_7, %sub3A_69 : vector<256x32xf32>
    %integer_pow3A_71 = arith.mulf %sub3A_70, %sub3A_70 : vector<256x32xf32>
    %sub3A_72 = vector.broadcast %get3A_65 : vector<1x1xf32> to vector<256x32xf32>
    %sub3A_73 = arith.subf %sub3A_17, %sub3A_72 : vector<256x32xf32>
    %integer_pow3A_74 = arith.mulf %sub3A_73, %sub3A_73 : vector<256x32xf32>
    %add3A_75 = arith.addf %integer_pow3A_71, %integer_pow3A_74 : vector<256x32xf32>
    %sub3A_76 = vector.broadcast %get3A_68 : vector<1x1xf32> to vector<256x32xf32>
    %sub3A_77 = arith.subf %sub3A_27, %sub3A_76 : vector<256x32xf32>
    %integer_pow3A_78 = arith.mulf %sub3A_77, %sub3A_77 : vector<256x32xf32>
    %add3A_79 = arith.addf %add3A_75, %integer_pow3A_78 : vector<256x32xf32>
    %neg3A_80 = arith.constant 0.000000e+00 : f32
    %neg3A_81 = vector.broadcast %neg3A_80 : f32 to vector<256x32xf32>
    %neg3A_82 = arith.subf %neg3A_81, %add3A_79 : vector<256x32xf32>
    %exp3A_83 = math.exp %neg3A_82 : vector<256x32xf32>
    %get3A_84 = arith.constant 0 : index
    %get3A_85 = arith.constant 2 : index
    %get3A_86 = vector.load %arg4[%get3A_84, %get3A_85] : memref<3x8xf32, #tpu.memory_space<vmem>>, vector<1x1xf32>
    %get3A_87 = arith.constant 1 : index
    %get3A_88 = arith.constant 2 : index
    %get3A_89 = vector.load %arg4[%get3A_87, %get3A_88] : memref<3x8xf32, #tpu.memory_space<vmem>>, vector<1x1xf32>
    %get3A_90 = arith.constant 2 : index
    %get3A_91 = arith.constant 2 : index
    %get3A_92 = vector.load %arg4[%get3A_90, %get3A_91] : memref<3x8xf32, #tpu.memory_space<vmem>>, vector<1x1xf32>
    %sub3A_93 = vector.broadcast %get3A_86 : vector<1x1xf32> to vector<256x32xf32>
    %sub3A_94 = arith.subf %sub3A_7, %sub3A_93 : vector<256x32xf32>
    %integer_pow3A_95 = arith.mulf %sub3A_94, %sub3A_94 : vector<256x32xf32>
    %sub3A_96 = vector.broadcast %get3A_89 : vector<1x1xf32> to vector<256x32xf32>
    %sub3A_97 = arith.subf %sub3A_17, %sub3A_96 : vector<256x32xf32>
    %integer_pow3A_98 = arith.mulf %sub3A_97, %sub3A_97 : vector<256x32xf32>
    %add3A_99 = arith.addf %integer_pow3A_95, %integer_pow3A_98 : vector<256x32xf32>
    %sub3A_100 = vector.broadcast %get3A_92 : vector<1x1xf32> to vector<256x32xf32>
    %sub3A_101 = arith.subf %sub3A_27, %sub3A_100 : vector<256x32xf32>
    %integer_pow3A_102 = arith.mulf %sub3A_101, %sub3A_101 : vector<256x32xf32>
    %add3A_103 = arith.addf %add3A_99, %integer_pow3A_102 : vector<256x32xf32>
    %neg3A_104 = arith.constant 0.000000e+00 : f32
    %neg3A_105 = vector.broadcast %neg3A_104 : f32 to vector<256x32xf32>
    %neg3A_106 = arith.subf %neg3A_105, %add3A_103 : vector<256x32xf32>
    %exp3A_107 = math.exp %neg3A_106 : vector<256x32xf32>
    %get3A_108 = arith.constant 0 : index
    %get3A_109 = arith.constant 3 : index
    %get3A_110 = vector.load %arg4[%get3A_108, %get3A_109] : memref<3x8xf32, #tpu.memory_space<vmem>>, vector<1x1xf32>
    %get3A_111 = arith.constant 1 : index
    %get3A_112 = arith.constant 3 : index
    %get3A_113 = vector.load %arg4[%get3A_111, %get3A_112] : memref<3x8xf32, #tpu.memory_space<vmem>>, vector<1x1xf32>
    %get3A_114 = arith.constant 2 : index
    %get3A_115 = arith.constant 3 : index
    %get3A_116 = vector.load %arg4[%get3A_114, %get3A_115] : memref<3x8xf32, #tpu.memory_space<vmem>>, vector<1x1xf32>
    %sub3A_117 = vector.broadcast %get3A_110 : vector<1x1xf32> to vector<256x32xf32>
    %sub3A_118 = arith.subf %sub3A_7, %sub3A_117 : vector<256x32xf32>
    %integer_pow3A_119 = arith.mulf %sub3A_118, %sub3A_118 : vector<256x32xf32>
    %sub3A_120 = vector.broadcast %get3A_113 : vector<1x1xf32> to vector<256x32xf32>
    %sub3A_121 = arith.subf %sub3A_17, %sub3A_120 : vector<256x32xf32>
    %integer_pow3A_122 = arith.mulf %sub3A_121, %sub3A_121 : vector<256x32xf32>
    %add3A_123 = arith.addf %integer_pow3A_119, %integer_pow3A_122 : vector<256x32xf32>
    %sub3A_124 = vector.broadcast %get3A_116 : vector<1x1xf32> to vector<256x32xf32>
    %sub3A_125 = arith.subf %sub3A_27, %sub3A_124 : vector<256x32xf32>
    %integer_pow3A_126 = arith.mulf %sub3A_125, %sub3A_125 : vector<256x32xf32>
    %add3A_127 = arith.addf %add3A_123, %integer_pow3A_126 : vector<256x32xf32>
    %neg3A_128 = arith.constant 0.000000e+00 : f32
    %neg3A_129 = vector.broadcast %neg3A_128 : f32 to vector<256x32xf32>
    %neg3A_130 = arith.subf %neg3A_129, %add3A_127 : vector<256x32xf32>
    %exp3A_131 = math.exp %neg3A_130 : vector<256x32xf32>
    %get3A_132 = arith.constant 0 : index
    %get3A_133 = arith.constant 4 : index
    %get3A_134 = vector.load %arg4[%get3A_132, %get3A_133] : memref<3x8xf32, #tpu.memory_space<vmem>>, vector<1x1xf32>
    %get3A_135 = arith.constant 1 : index
    %get3A_136 = arith.constant 4 : index
    %get3A_137 = vector.load %arg4[%get3A_135, %get3A_136] : memref<3x8xf32, #tpu.memory_space<vmem>>, vector<1x1xf32>
    %get3A_138 = arith.constant 2 : index
    %get3A_139 = arith.constant 4 : index
    %get3A_140 = vector.load %arg4[%get3A_138, %get3A_139] : memref<3x8xf32, #tpu.memory_space<vmem>>, vector<1x1xf32>
    %sub3A_141 = vector.broadcast %get3A_134 : vector<1x1xf32> to vector<256x32xf32>
    %sub3A_142 = arith.subf %sub3A_7, %sub3A_141 : vector<256x32xf32>
    %integer_pow3A_143 = arith.mulf %sub3A_142, %sub3A_142 : vector<256x32xf32>
    %sub3A_144 = vector.broadcast %get3A_137 : vector<1x1xf32> to vector<256x32xf32>
    %sub3A_145 = arith.subf %sub3A_17, %sub3A_144 : vector<256x32xf32>
    %integer_pow3A_146 = arith.mulf %sub3A_145, %sub3A_145 : vector<256x32xf32>
    %add3A_147 = arith.addf %integer_pow3A_143, %integer_pow3A_146 : vector<256x32xf32>
    %sub3A_148 = vector.broadcast %get3A_140 : vector<1x1xf32> to vector<256x32xf32>
    %sub3A_149 = arith.subf %sub3A_27, %sub3A_148 : vector<256x32xf32>
    %integer_pow3A_150 = arith.mulf %sub3A_149, %sub3A_149 : vector<256x32xf32>
    %add3A_151 = arith.addf %add3A_147, %integer_pow3A_150 : vector<256x32xf32>
    %neg3A_152 = arith.constant 0.000000e+00 : f32
    %neg3A_153 = vector.broadcast %neg3A_152 : f32 to vector<256x32xf32>
    %neg3A_154 = arith.subf %neg3A_153, %add3A_151 : vector<256x32xf32>
    %exp3A_155 = math.exp %neg3A_154 : vector<256x32xf32>
    %get3A_156 = arith.constant 0 : index
    %get3A_157 = arith.constant 5 : index
    %get3A_158 = vector.load %arg4[%get3A_156, %get3A_157] : memref<3x8xf32, #tpu.memory_space<vmem>>, vector<1x1xf32>
    %get3A_159 = arith.constant 1 : index
    %get3A_160 = arith.constant 5 : index
    %get3A_161 = vector.load %arg4[%get3A_159, %get3A_160] : memref<3x8xf32, #tpu.memory_space<vmem>>, vector<1x1xf32>
    %get3A_162 = arith.constant 2 : index
    %get3A_163 = arith.constant 5 : index
    %get3A_164 = vector.load %arg4[%get3A_162, %get3A_163] : memref<3x8xf32, #tpu.memory_space<vmem>>, vector<1x1xf32>
    %sub3A_165 = vector.broadcast %get3A_158 : vector<1x1xf32> to vector<256x32xf32>
    %sub3A_166 = arith.subf %sub3A_7, %sub3A_165 : vector<256x32xf32>
    %integer_pow3A_167 = arith.mulf %sub3A_166, %sub3A_166 : vector<256x32xf32>
    %sub3A_168 = vector.broadcast %get3A_161 : vector<1x1xf32> to vector<256x32xf32>
    %sub3A_169 = arith.subf %sub3A_17, %sub3A_168 : vector<256x32xf32>
    %integer_pow3A_170 = arith.mulf %sub3A_169, %sub3A_169 : vector<256x32xf32>
    %add3A_171 = arith.addf %integer_pow3A_167, %integer_pow3A_170 : vector<256x32xf32>
    %sub3A_172 = vector.broadcast %get3A_164 : vector<1x1xf32> to vector<256x32xf32>
    %sub3A_173 = arith.subf %sub3A_27, %sub3A_172 : vector<256x32xf32>
    %integer_pow3A_174 = arith.mulf %sub3A_173, %sub3A_173 : vector<256x32xf32>
    %add3A_175 = arith.addf %add3A_171, %integer_pow3A_174 : vector<256x32xf32>
    %neg3A_176 = arith.constant 0.000000e+00 : f32
    %neg3A_177 = vector.broadcast %neg3A_176 : f32 to vector<256x32xf32>
    %neg3A_178 = arith.subf %neg3A_177, %add3A_175 : vector<256x32xf32>
    %exp3A_179 = math.exp %neg3A_178 : vector<256x32xf32>
    %get3A_180 = arith.constant 0 : index
    %get3A_181 = arith.constant 6 : index
    %get3A_182 = vector.load %arg4[%get3A_180, %get3A_181] : memref<3x8xf32, #tpu.memory_space<vmem>>, vector<1x1xf32>
    %get3A_183 = arith.constant 1 : index
    %get3A_184 = arith.constant 6 : index
    %get3A_185 = vector.load %arg4[%get3A_183, %get3A_184] : memref<3x8xf32, #tpu.memory_space<vmem>>, vector<1x1xf32>
    %get3A_186 = arith.constant 2 : index
    %get3A_187 = arith.constant 6 : index
    %get3A_188 = vector.load %arg4[%get3A_186, %get3A_187] : memref<3x8xf32, #tpu.memory_space<vmem>>, vector<1x1xf32>
    %sub3A_189 = vector.broadcast %get3A_182 : vector<1x1xf32> to vector<256x32xf32>
    %sub3A_190 = arith.subf %sub3A_7, %sub3A_189 : vector<256x32xf32>
    %integer_pow3A_191 = arith.mulf %sub3A_190, %sub3A_190 : vector<256x32xf32>
    %sub3A_192 = vector.broadcast %get3A_185 : vector<1x1xf32> to vector<256x32xf32>
    %sub3A_193 = arith.subf %sub3A_17, %sub3A_192 : vector<256x32xf32>
    %integer_pow3A_194 = arith.mulf %sub3A_193, %sub3A_193 : vector<256x32xf32>
    %add3A_195 = arith.addf %integer_pow3A_191, %integer_pow3A_194 : vector<256x32xf32>
    %sub3A_196 = vector.broadcast %get3A_188 : vector<1x1xf32> to vector<256x32xf32>
    %sub3A_197 = arith.subf %sub3A_27, %sub3A_196 : vector<256x32xf32>
    %integer_pow3A_198 = arith.mulf %sub3A_197, %sub3A_197 : vector<256x32xf32>
    %add3A_199 = arith.addf %add3A_195, %integer_pow3A_198 : vector<256x32xf32>
    %neg3A_200 = arith.constant 0.000000e+00 : f32
    %neg3A_201 = vector.broadcast %neg3A_200 : f32 to vector<256x32xf32>
    %neg3A_202 = arith.subf %neg3A_201, %add3A_199 : vector<256x32xf32>
    %exp3A_203 = math.exp %neg3A_202 : vector<256x32xf32>
    %get3A_204 = arith.constant 0 : index
    %get3A_205 = arith.constant 7 : index
    %get3A_206 = vector.load %arg4[%get3A_204, %get3A_205] : memref<3x8xf32, #tpu.memory_space<vmem>>, vector<1x1xf32>
    %get3A_207 = arith.constant 1 : index
    %get3A_208 = arith.constant 7 : index
    %get3A_209 = vector.load %arg4[%get3A_207, %get3A_208] : memref<3x8xf32, #tpu.memory_space<vmem>>, vector<1x1xf32>
    %get3A_210 = arith.constant 2 : index
    %get3A_211 = arith.constant 7 : index
    %get3A_212 = vector.load %arg4[%get3A_210, %get3A_211] : memref<3x8xf32, #tpu.memory_space<vmem>>, vector<1x1xf32>
    %sub3A_213 = vector.broadcast %get3A_206 : vector<1x1xf32> to vector<256x32xf32>
    %sub3A_214 = arith.subf %sub3A_7, %sub3A_213 : vector<256x32xf32>
    %integer_pow3A_215 = arith.mulf %sub3A_214, %sub3A_214 : vector<256x32xf32>
    %sub3A_216 = vector.broadcast %get3A_209 : vector<1x1xf32> to vector<256x32xf32>
    %sub3A_217 = arith.subf %sub3A_17, %sub3A_216 : vector<256x32xf32>
    %integer_pow3A_218 = arith.mulf %sub3A_217, %sub3A_217 : vector<256x32xf32>
    %add3A_219 = arith.addf %integer_pow3A_215, %integer_pow3A_218 : vector<256x32xf32>
    %sub3A_220 = vector.broadcast %get3A_212 : vector<1x1xf32> to vector<256x32xf32>
    %sub3A_221 = arith.subf %sub3A_27, %sub3A_220 : vector<256x32xf32>
    %integer_pow3A_222 = arith.mulf %sub3A_221, %sub3A_221 : vector<256x32xf32>
    %add3A_223 = arith.addf %add3A_219, %integer_pow3A_222 : vector<256x32xf32>
    %neg3A_224 = arith.constant 0.000000e+00 : f32
    %neg3A_225 = vector.broadcast %neg3A_224 : f32 to vector<256x32xf32>
    %neg3A_226 = arith.subf %neg3A_225, %add3A_223 : vector<256x32xf32>
    %exp3A_227 = math.exp %neg3A_226 : vector<256x32xf32>
    %stack3A = vector.shape_cast %exp3A : vector<256x32xf32> to vector<256x1x32xf32>
    %stack3A_228 = vector.shape_cast %exp3A_83 : vector<256x32xf32> to vector<256x1x32xf32>
    %stack3A_229 = vector.shape_cast %exp3A_107 : vector<256x32xf32> to vector<256x1x32xf32>
    %stack3A_230 = vector.shape_cast %exp3A_131 : vector<256x32xf32> to vector<256x1x32xf32>
    %stack3A_231 = vector.shape_cast %exp3A_155 : vector<256x32xf32> to vector<256x1x32xf32>
    %stack3A_232 = vector.shape_cast %exp3A_179 : vector<256x32xf32> to vector<256x1x32xf32>
    %stack3A_233 = vector.shape_cast %exp3A_203 : vector<256x32xf32> to vector<256x1x32xf32>
    %stack3A_234 = vector.shape_cast %exp3A_227 : vector<256x32xf32> to vector<256x1x32xf32>
    %stack3A_235 = tpu.concatenate %stack3A, %stack3A_228, %stack3A_229, %stack3A_230, %stack3A_231, %stack3A_232, %stack3A_233, %stack3A_234 in 1 : vector<256x1x32xf32>, vector<256x1x32xf32>, vector<256x1x32xf32>, vector<256x1x32xf32>, vector<256x1x32xf32>, vector<256x1x32xf32>, vector<256x1x32xf32>, vector<256x1x32xf32> -> vector<256x8x32xf32>
    %dot_general3A = arith.constant dense<0.000000e+00> : vector<256x8x128xf32>
    %dot_general3A_236 = tpu.matmul %stack3A_235, %get3A_39, %dot_general3A {dimension_numbers = #tpu.dot_dimension_numbers<[2], [1], [1], [2], [0, 0, 0, 1, 1, 2], [0], [0]>, transpose_lhs_hint = false} : vector<256x8x32xf32>, vector<256x32x128xf32>, vector<256x8x128xf32> -> vector<256x8x128xf32>
    %broadcast_in_dim3A = arith.constant 0.000000e+00 : f32
    %broadcast_in_dim3A_237 = vector.broadcast %broadcast_in_dim3A : f32 to vector<256x128xf32>
    %slice3A = vector.extract_strided_slice %dot_general3A_236 {offsets = [0, 0, 0], sizes = [256, 1, 128], strides = [1, 1, 1]} : vector<256x8x128xf32> to vector<256x1x128xf32>
    %squeeze3A = vector.shape_cast %slice3A : vector<256x1x128xf32> to vector<256x128xf32>
    %get3A_238 = arith.constant 0 : index
    %get3A_239 = arith.constant 0 : index
    %get3A_240 = arith.constant 0 : index
    %get3A_241 = vector.load %arg5[%get3A_238, %get3A_239, %get3A_240] : memref<8x128x128xf32, #tpu.memory_space<vmem>>, vector<1x128x128xf32>
    %get3A_242 = vector.shape_cast %get3A_241 : vector<1x128x128xf32> to vector<128x128xf32>
    %dot_general3A_243 = arith.constant dense<0.000000e+00> : vector<256x128xf32>
    %dot_general3A_244 = tpu.matmul %squeeze3A, %get3A_242, %dot_general3A_243 {dimension_numbers = #tpu.dot_dimension_numbers<[1], [0], [0], [1], [0, 0, 1, 1], [], []>, transpose_lhs_hint = false} : vector<256x128xf32>, vector<128x128xf32>, vector<256x128xf32> -> vector<256x128xf32>
    %add3A_245 = arith.addf %broadcast_in_dim3A_237, %dot_general3A_244 : vector<256x128xf32>
    %slice3A_246 = vector.extract_strided_slice %dot_general3A_236 {offsets = [0, 1, 0], sizes = [256, 1, 128], strides = [1, 1, 1]} : vector<256x8x128xf32> to vector<256x1x128xf32>
    %squeeze3A_247 = vector.shape_cast %slice3A_246 : vector<256x1x128xf32> to vector<256x128xf32>
    %get3A_248 = arith.constant 1 : index
    %get3A_249 = arith.constant 0 : index
    %get3A_250 = arith.constant 0 : index
    %get3A_251 = vector.load %arg5[%get3A_248, %get3A_249, %get3A_250] : memref<8x128x128xf32, #tpu.memory_space<vmem>>, vector<1x128x128xf32>
    %get3A_252 = vector.shape_cast %get3A_251 : vector<1x128x128xf32> to vector<128x128xf32>
    %dot_general3A_253 = arith.constant dense<0.000000e+00> : vector<256x128xf32>
    %dot_general3A_254 = tpu.matmul %squeeze3A_247, %get3A_252, %dot_general3A_253 {dimension_numbers = #tpu.dot_dimension_numbers<[1], [0], [0], [1], [0, 0, 1, 1], [], []>, transpose_lhs_hint = false} : vector<256x128xf32>, vector<128x128xf32>, vector<256x128xf32> -> vector<256x128xf32>
    %add3A_255 = arith.addf %add3A_245, %dot_general3A_254 : vector<256x128xf32>
    %slice3A_256 = vector.extract_strided_slice %dot_general3A_236 {offsets = [0, 2, 0], sizes = [256, 1, 128], strides = [1, 1, 1]} : vector<256x8x128xf32> to vector<256x1x128xf32>
    %squeeze3A_257 = vector.shape_cast %slice3A_256 : vector<256x1x128xf32> to vector<256x128xf32>
    %get3A_258 = arith.constant 2 : index
    %get3A_259 = arith.constant 0 : index
    %get3A_260 = arith.constant 0 : index
    %get3A_261 = vector.load %arg5[%get3A_258, %get3A_259, %get3A_260] : memref<8x128x128xf32, #tpu.memory_space<vmem>>, vector<1x128x128xf32>
    %get3A_262 = vector.shape_cast %get3A_261 : vector<1x128x128xf32> to vector<128x128xf32>
    %dot_general3A_263 = arith.constant dense<0.000000e+00> : vector<256x128xf32>
    %dot_general3A_264 = tpu.matmul %squeeze3A_257, %get3A_262, %dot_general3A_263 {dimension_numbers = #tpu.dot_dimension_numbers<[1], [0], [0], [1], [0, 0, 1, 1], [], []>, transpose_lhs_hint = false} : vector<256x128xf32>, vector<128x128xf32>, vector<256x128xf32> -> vector<256x128xf32>
    %add3A_265 = arith.addf %add3A_255, %dot_general3A_264 : vector<256x128xf32>
    %slice3A_266 = vector.extract_strided_slice %dot_general3A_236 {offsets = [0, 3, 0], sizes = [256, 1, 128], strides = [1, 1, 1]} : vector<256x8x128xf32> to vector<256x1x128xf32>
    %squeeze3A_267 = vector.shape_cast %slice3A_266 : vector<256x1x128xf32> to vector<256x128xf32>
    %get3A_268 = arith.constant 3 : index
    %get3A_269 = arith.constant 0 : index
    %get3A_270 = arith.constant 0 : index
    %get3A_271 = vector.load %arg5[%get3A_268, %get3A_269, %get3A_270] : memref<8x128x128xf32, #tpu.memory_space<vmem>>, vector<1x128x128xf32>
    %get3A_272 = vector.shape_cast %get3A_271 : vector<1x128x128xf32> to vector<128x128xf32>
    %dot_general3A_273 = arith.constant dense<0.000000e+00> : vector<256x128xf32>
    %dot_general3A_274 = tpu.matmul %squeeze3A_267, %get3A_272, %dot_general3A_273 {dimension_numbers = #tpu.dot_dimension_numbers<[1], [0], [0], [1], [0, 0, 1, 1], [], []>, transpose_lhs_hint = false} : vector<256x128xf32>, vector<128x128xf32>, vector<256x128xf32> -> vector<256x128xf32>
    %add3A_275 = arith.addf %add3A_265, %dot_general3A_274 : vector<256x128xf32>
    %slice3A_276 = vector.extract_strided_slice %dot_general3A_236 {offsets = [0, 4, 0], sizes = [256, 1, 128], strides = [1, 1, 1]} : vector<256x8x128xf32> to vector<256x1x128xf32>
    %squeeze3A_277 = vector.shape_cast %slice3A_276 : vector<256x1x128xf32> to vector<256x128xf32>
    %get3A_278 = arith.constant 4 : index
    %get3A_279 = arith.constant 0 : index
    %get3A_280 = arith.constant 0 : index
    %get3A_281 = vector.load %arg5[%get3A_278, %get3A_279, %get3A_280] : memref<8x128x128xf32, #tpu.memory_space<vmem>>, vector<1x128x128xf32>
    %get3A_282 = vector.shape_cast %get3A_281 : vector<1x128x128xf32> to vector<128x128xf32>
    %dot_general3A_283 = arith.constant dense<0.000000e+00> : vector<256x128xf32>
    %dot_general3A_284 = tpu.matmul %squeeze3A_277, %get3A_282, %dot_general3A_283 {dimension_numbers = #tpu.dot_dimension_numbers<[1], [0], [0], [1], [0, 0, 1, 1], [], []>, transpose_lhs_hint = false} : vector<256x128xf32>, vector<128x128xf32>, vector<256x128xf32> -> vector<256x128xf32>
    %add3A_285 = arith.addf %add3A_275, %dot_general3A_284 : vector<256x128xf32>
    %slice3A_286 = vector.extract_strided_slice %dot_general3A_236 {offsets = [0, 5, 0], sizes = [256, 1, 128], strides = [1, 1, 1]} : vector<256x8x128xf32> to vector<256x1x128xf32>
    %squeeze3A_287 = vector.shape_cast %slice3A_286 : vector<256x1x128xf32> to vector<256x128xf32>
    %get3A_288 = arith.constant 5 : index
    %get3A_289 = arith.constant 0 : index
    %get3A_290 = arith.constant 0 : index
    %get3A_291 = vector.load %arg5[%get3A_288, %get3A_289, %get3A_290] : memref<8x128x128xf32, #tpu.memory_space<vmem>>, vector<1x128x128xf32>
    %get3A_292 = vector.shape_cast %get3A_291 : vector<1x128x128xf32> to vector<128x128xf32>
    %dot_general3A_293 = arith.constant dense<0.000000e+00> : vector<256x128xf32>
    %dot_general3A_294 = tpu.matmul %squeeze3A_287, %get3A_292, %dot_general3A_293 {dimension_numbers = #tpu.dot_dimension_numbers<[1], [0], [0], [1], [0, 0, 1, 1], [], []>, transpose_lhs_hint = false} : vector<256x128xf32>, vector<128x128xf32>, vector<256x128xf32> -> vector<256x128xf32>
    %add3A_295 = arith.addf %add3A_285, %dot_general3A_294 : vector<256x128xf32>
    %slice3A_296 = vector.extract_strided_slice %dot_general3A_236 {offsets = [0, 6, 0], sizes = [256, 1, 128], strides = [1, 1, 1]} : vector<256x8x128xf32> to vector<256x1x128xf32>
    %squeeze3A_297 = vector.shape_cast %slice3A_296 : vector<256x1x128xf32> to vector<256x128xf32>
    %get3A_298 = arith.constant 6 : index
    %get3A_299 = arith.constant 0 : index
    %get3A_300 = arith.constant 0 : index
    %get3A_301 = vector.load %arg5[%get3A_298, %get3A_299, %get3A_300] : memref<8x128x128xf32, #tpu.memory_space<vmem>>, vector<1x128x128xf32>
    %get3A_302 = vector.shape_cast %get3A_301 : vector<1x128x128xf32> to vector<128x128xf32>
    %dot_general3A_303 = arith.constant dense<0.000000e+00> : vector<256x128xf32>
    %dot_general3A_304 = tpu.matmul %squeeze3A_297, %get3A_302, %dot_general3A_303 {dimension_numbers = #tpu.dot_dimension_numbers<[1], [0], [0], [1], [0, 0, 1, 1], [], []>, transpose_lhs_hint = false} : vector<256x128xf32>, vector<128x128xf32>, vector<256x128xf32> -> vector<256x128xf32>
    %add3A_305 = arith.addf %add3A_295, %dot_general3A_304 : vector<256x128xf32>
    %slice3A_306 = vector.extract_strided_slice %dot_general3A_236 {offsets = [0, 7, 0], sizes = [256, 1, 128], strides = [1, 1, 1]} : vector<256x8x128xf32> to vector<256x1x128xf32>
    %squeeze3A_307 = vector.shape_cast %slice3A_306 : vector<256x1x128xf32> to vector<256x128xf32>
    %get3A_308 = arith.constant 7 : index
    %get3A_309 = arith.constant 0 : index
    %get3A_310 = arith.constant 0 : index
    %get3A_311 = vector.load %arg5[%get3A_308, %get3A_309, %get3A_310] : memref<8x128x128xf32, #tpu.memory_space<vmem>>, vector<1x128x128xf32>
    %get3A_312 = vector.shape_cast %get3A_311 : vector<1x128x128xf32> to vector<128x128xf32>
    %dot_general3A_313 = arith.constant dense<0.000000e+00> : vector<256x128xf32>
    %dot_general3A_314 = tpu.matmul %squeeze3A_307, %get3A_312, %dot_general3A_313 {dimension_numbers = #tpu.dot_dimension_numbers<[1], [0], [0], [1], [0, 0, 1, 1], [], []>, transpose_lhs_hint = false} : vector<256x128xf32>, vector<128x128xf32>, vector<256x128xf32> -> vector<256x128xf32>
    %add3A_315 = arith.addf %add3A_305, %dot_general3A_314 : vector<256x128xf32>
    %mul3A = arith.constant 3.125000e-02 : f32
    %mul3A_316 = vector.broadcast %mul3A : f32 to vector<256x128xf32>
    %mul3A_317 = arith.mulf %add3A_315, %mul3A_316 : vector<256x128xf32>
    %get3A_318 = arith.constant 0 : index
    %get3A_319 = arith.constant 0 : index
    %get3A_320 = vector.load %arg6[%get3A_318, %get3A_319] : memref<1x128xf32, #tpu.memory_space<vmem>>, vector<1x128xf32>
    %add3A_321 = vector.broadcast %get3A_320 : vector<1x128xf32> to vector<256x128xf32>
    %add3A_322 = arith.addf %mul3A_317, %add3A_321 : vector<256x128xf32>
    %swap3A_323 = arith.constant 0 : index
    %swap3A_324 = arith.constant 0 : index
    %swap3A_325 = vector.load %arg7[%swap3A_323, %swap3A_324] : memref<256x128xf32, #tpu.memory_space<vmem>>, vector<256x128xf32>
    tpu.vector_store %arg7[%swap3A_323, %swap3A_324], %add3A_322 {strides = array<i32>} : memref<256x128xf32, #tpu.memory_space<vmem>>, vector<256x128xf32>,
    return
  }
  func.func @transform_0(%arg0: i32) -> (i32, i32) {
    %c0_i32 = arith.constant 0 : i32
    %c0_i32_0 = arith.constant 0 : i32
    return %arg0, %c0_i32 : i32, i32
  }
  func.func @transform_1(%arg0: i32) -> (i32, i32, i32) {
    %c0_i32 = arith.constant 0 : i32
    %c0_i32_0 = arith.constant 0 : i32
    %c0_i32_1 = arith.constant 0 : i32
    return %arg0, %c0_i32, %c0_i32_0 : i32, i32, i32
  }
  func.func @transform_2(%arg0: i32) -> (i32, i32, i32) {
    %c0_i32 = arith.constant 0 : i32
    %c0_i32_0 = arith.constant 0 : i32
    %c0_i32_1 = arith.constant 0 : i32
    return %arg0, %c0_i32, %c0_i32_0 : i32, i32, i32
  }
  func.func @transform_3(%arg0: i32) -> (i32, i32) {
    %c0_i32 = arith.constant 0 : i32
    %c0_i32_0 = arith.constant 0 : i32
    %c0_i32_1 = arith.constant 0 : i32
    return %c0_i32, %c0_i32_0 : i32, i32
  }
  func.func @transform_4(%arg0: i32) -> (i32, i32, i32) {
    %c0_i32 = arith.constant 0 : i32
    %c0_i32_0 = arith.constant 0 : i32
    %c0_i32_1 = arith.constant 0 : i32
    %c0_i32_2 = arith.constant 0 : i32
    return %c0_i32, %c0_i32_0, %c0_i32_1 : i32, i32, i32
  }
  func.func @transform_5(%arg0: i32) -> (i32, i32) {
    %c0_i32 = arith.constant 0 : i32
    %c0_i32_0 = arith.constant 0 : i32
    %c0_i32_1 = arith.constant 0 : i32
    return %c0_i32, %c0_i32_0 : i32, i32
  }
  func.func @transform_6(%arg0: i32) -> (i32, i32) {
    %c0_i32 = arith.constant 0 : i32
    %c0_i32_0 = arith.constant 0 : i32
    return %arg0, %c0_i32 : i32, i32
  }
  func.func @transform_7(%arg0: i32) -> (i32, i32) {
    %c0_i32 = arith.constant 0 : i32
    %c0_i32_0 = arith.constant 0 : i32
    return %arg0, %c0_i32 : i32, i32
  }
  func.func @transform_8(%arg0: i32) -> (i32, i32) {
    %c0_i32 = arith.constant 0 : i32
    %c0_i32_0 = arith.constant 0 : i32
    return %arg0, %c0_i32 : i32, i32
  }
  func.func @transform_9(%arg0: i32) -> (i32, i32) {
    %c0_i32 = arith.constant 0 : i32
    %c0_i32_0 = arith.constant 0 : i32
    return %arg0, %c0_i32 : i32, i32
  }
}

</mosaic_0001>

<sc_bundles>
// kernel: kernel.5.cloned.1.call-start
scs
__scs_entry_jumppad:
0x0: {  	(pc) =	sbr.rel $0x88, $3  }
0x1: {  	(tag) =	ssettag $0x0;
	lr =	simm.s32 $0x1  }
0x2: {  	[smem:$0x3F9B] =	sst lr;
	_ =	strace $0xD0000000  }
0x3: {  	_ = 	snop  }
0x4: {  	_ = 	snop  }
0x5: {  	_ = 	snop  }
0x6: {  	_ = 	snop  }
0x7: {  	_ = 	snop  }
__scs_overlays_trampoline_lowered:
0x8: {  	[smem:$0x3FAA] =	sst s0  }
0x9: {  	[smem:$0x3FAB] =	sst s1  }
0xa: {  	[smem:$0x3FAC] =	sst s2  }
0xb: {  	[smem:$0x3FAD] =	sst s3  }
0xc: {  	[smem:$0x3FAE] =	sst s4  }
0xd: {  	[smem:$0x3FAF] =	sst s5  }
0xe: {  	[smem:$0x3FB0] =	sst s6  }
0xf: {  	[smem:$0x3FB1] =	sst s7  }
0x10: {  	[smem:$0x3FB2] =	sst s8  }
0x11: {  	[smem:$0x3FB3] =	sst s9;
	s0 =	simm.s32 @!p0 $0x0  }
0x12: {  	s1 =	sld [smem:$0x3F99];
	s0 =	simm.s32 @p0 $0x1  }
0x13: {  	[smem:$0x3FB4] =	sst s0;
	s0 =	simm.s32 @!p1 $0x0  }
0x14: {  	s2 =	sld [smem:$0x3F98];
	s0 =	simm.s32 @p1 $0x1  }
0x15: {  	[smem:$0x3FB5] =	sst s0;
	s0 =	simm.s32 @!p2 $0x0  }
0x16: {  	s3 =	sld [smem:$0x3FDB];
	s0 =	simm.s32 @p2 $0x1  }
0x17: {  	s4 =	simm.s32 $0x1BF5;
	[smem:$0x3FB7] =	sst s0  }
0x18: {  	s0 =	sld [smem:$0x3F9A];
	_ =	swait.ge [sflag:s4], $0x0  }
0x19: {  	s7 =	sld [smem:$0x3F9B]  }
0x1a: {  	s8 =	sadd.s32 $0xFFFFE003, lr  }
0x1b: {  	s9 =	sadd.s32 $0xFFFFFEF7, lr;
	s5 =	simm.s32 $0xFFFFFFFF;
	p2 =	slt.u32 s8, $0xFFFFF086  }
0x1c: {  	p1 =	slt.u32 s9, $0xF7A;
	s5 =	simm.s32 @!p2 $0x0  }
0x1d: {  	s5 =	simm.s32 @p1 $0x1;
	p0 =	seq.s32 s7, s2  }
0x1e: {  	s7 =	smul.u32 @!p0 $0xF7A, s2;
	p2 =	seq.s32 @!p0 s5, $0x0  }
0x1f: {  	s9 =	smul.u32 $0xF7A, s1;
	s8 =	simm.s32 @!p0 $0x1BF5;
	p2 =	por !p2, p0  }
0x20: {  	[sflag:s8] =	ssyncset.s32 @!p0 $0xFFFFF086;
	s6 =	sadd.s32 @!p0 s3, s7;
	s7 =	simm.s32 @!p0 $0x108  }
0x21: {  	s3 =	sadd.s32 s3, s9;
	s6 =	sadd.s32 @!p0 $0x88, s6;
	s7 =	simm.s32 @p2 $0x1082  }
0x22: {  	[simem:s7], [sflag:s8] =	dma.local @!p0 [hbm:s6], $0xF7A  }
0x23: {  	s9 =	sor.u32 $0xD0000000, s2;
	s6 =	simm.s32 $0x108;
	_ =	swait.ge @!p0 [sflag:s8], $0x0  }
0x24: {  	s3 =	sadd.s32 $0x88, s3;
	s6 =	simm.s32 @!p1 $0x1082;
	[sflag:s4] =	ssyncset.s32 $0xFFFFF086  }
0x25: {  	[simem:s6], [sflag:s4] =	dma.local [hbm:s3], $0xF7A  }
0x26: {  	[smem:$0x3F9B] =	sst s1;
	(tag) =	ssettag s2;
	_ =	strace s9  }
0x27: {  	s1 =	sld [smem:$0x3FAB]  }
0x28: {  	s2 =	sld [smem:$0x3FAC]  }
0x29: {  	s4 =	sld [smem:$0x3FAE]  }
0x2a: {  	p0 =	seq.s32 s5, $0x0;
	s5 =	sld [smem:$0x3FAF]  }
0x2b: {  	s6 =	sld [smem:$0x3FB0]  }
0x2c: {  	s7 =	sld [smem:$0x3FB1]  }
0x2d: {  	s3 =	simm.s32 $0x108;
	s8 =	sld [smem:$0x3FB2]  }
0x2e: {  	s3 =	simm.s32 @!p0 $0x1082;
	s9 =	sld [smem:$0x3FB3]  }
0x2f: {  	lr =	sadd.s32 s0, s3;
	s0 =	sld [smem:$0x3FAA]  }
0x30: {  	s3 =	sld [smem:$0x3FAD]  }
0x31: {  	[smem:$0x3FB6] =	sst s10  }
0x32: {  	s10 =	sld [smem:$0x3FB4];
	_ =	sdelay $0x3  }
0x33: {  	p0 =	seq.s32 s10, $0x1;
	s10 =	sld [smem:$0x3FB6];
	_ =	sdelay $0x3  }
0x34: {  	[smem:$0x3FB6] =	sst s10  }
0x35: {  	s10 =	sld [smem:$0x3FB5];
	_ =	sdelay $0x3  }
0x36: {  	p1 =	seq.s32 s10, $0x1;
	s10 =	sld [smem:$0x3FB6];
	_ =	sdelay $0x3  }
0x37: {  	[smem:$0x3FB6] =	sst s10  }
0x38: {  	s10 =	sld [smem:$0x3FB7]  }
0x39: {  	_ = 	snop;
	(pc) =	sbr.ind lr, $3  }
0x3a: {  	_ = 	snop  }
0x3b: {  	_ = 	snop  }
0x3c: {  	p2 =	seq.s32 s10, $0x1;
	s10 =	sld [smem:$0x3FB6]  }
0x3d: {  	_ =	shalt  }
0x3e: {  	_ =	shalt  }
0x3f: {  	_ =	shalt  }
0x40: {  	_ =	shalt  }
0x41: {  	_ =	shalt  }
0x42: {  	_ =	shalt  }
0x43: {  	_ =	shalt  }
0x44: {  	_ =	shalt  }
0x45: {  	_ =	shalt  }
0x46: {  	_ =	shalt  }
0x47: {  	_ =	shalt  }
0x48: {  	_ =	shalt  }
0x49: {  	_ =	shalt  }
0x4a: {  	_ =	shalt  }
0x4b: {  	_ =	shalt  }
0x4c: {  	_ =	shalt  }
0x4d: {  	_ =	shalt  }
0x4e: {  	_ =	shalt  }
0x4f: {  	_ =	shalt  }
0x50: {  	_ =	shalt  }
0x51: {  	_ =	shalt  }
0x52: {  	_ =	shalt  }
0x53: {  	_ =	shalt  }
0x54: {  	_ =	shalt  }
0x55: {  	_ =	shalt  }
0x56: {  	_ =	shalt  }
0x57: {  	_ =	shalt  }
0x58: {  	_ =	shalt  }
0x59: {  	_ =	shalt  }
0x5a: {  	_ =	shalt  }
0x5b: {  	_ =	shalt  }
0x5c: {  	_ =	shalt  }
0x5d: {  	_ =	shalt  }
0x5e: {  	_ =	shalt  }
0x5f: {  	_ =	shalt  }
0x60: {  	_ =	shalt  }
0x61: {  	_ =	shalt  }
0x62: {  	_ =	shalt  }
0x63: {  	_ =	shalt  }
0x64: {  	_ =	shalt  }
0x65: {  	_ =	shalt  }
0x66: {  	_ =	shalt  }
0x67: {  	_ =	shalt  }
0x68: {  	_ =	shalt  }
0x69: {  	_ =	shalt  }
0x6a: {  	_ =	shalt  }
0x6b: {  	_ =	shalt  }
0x6c: {  	_ =	shalt  }
0x6d: {  	_ =	shalt  }
0x6e: {  	_ =	shalt  }
0x6f: {  	_ =	shalt  }
0x70: {  	_ =	shalt  }
0x71: {  	_ =	shalt  }
0x72: {  	_ =	shalt  }
0x73: {  	_ =	shalt  }
0x74: {  	_ =	shalt  }
0x75: {  	_ =	shalt  }
0x76: {  	_ =	shalt  }
0x77: {  	_ =	shalt  }
0x78: {  	_ =	shalt  }
0x79: {  	_ =	shalt  }
0x7a: {  	_ =	shalt  }
0x7b: {  	_ =	shalt  }
0x7c: {  	_ =	shalt  }
0x7d: {  	_ =	shalt  }
0x7e: {  	_ =	shalt  }
0x7f: {  	_ =	shalt  }
0x80: {  	_ =	shalt  }
0x81: {  	_ =	shalt  }
0x82: {  	_ =	shalt  }
0x83: {  	_ =	shalt  }
0x84: {  	_ =	shalt  }
0x85: {  	_ =	shalt  }
0x86: {  	_ =	shalt  }
0x87: {  	_ =	shalt  }
.Lfunc_end0:
.L_simem_size_0:
called_computation_lowered:
.L_overlay_start_0:
0x88: {  	s2 =	sld [smem:$0x3FD9]  }
0x89: {  	s3 =	sld [smem:$0x3FFE];
	_ =	sdelay $0x1  }
0x8a: {  	s1 =	srdreg.scid  }
0x8b: {  	s0 =	sand.u32 $0x1, s1  }
0x8c: {  	s14 =	sshll.u32 s0, $0xA;
	s2 =	sadd.s32 s3, s2  }
0x8d: {  	s2 =	sadd.s32 s2, s14  }
0x8e: {  	[smem:$0x3FC2] =	sst s2  }
0x8f: {  	_ = 	snop  }
0x90: {  	s2 =	sld [smem:$0x3FD0];
	_ =	sdelay $0x2  }
0x91: {  	s4 =	simm.s32 $0xA;
	s5 =	simm.s32 $0x10;
	s15 =	sld [smem:$0x3FC8]  }
0x92: {  	[smem:s5], [sflag:s4] =	dma.local [hbm:s2], $0x1  }
0x93: {  	_ =	swait.eq [sflag:s4], $0x1  }
0x94: {  	[sflag:s4] =	ssyncset.done $0x0  }
0x95: {  	s16 =	sld [smem:$0x10];
	[sflag:s4] =	ssyncadd.s32 $0xFFFFFFFF  }
0x96: {  	s17 =	sld [smem:$0x12];
	(tm) =	ssettm $0x1  }
0x97: {  	s18 =	sld [smem:$0x3FFB];
	_ =	sdelay $0x3  }
0x98: {  	_ =	strace s18  }
0x99: {  	s5 =	sld [smem:$0x3FFC];
	_ =	sdelay $0x3  }
0x9a: {  	_ =	strace s5  }
0x9b: {  	s5 =	sld [smem:$0x3FFD];
	_ =	sdelay $0x3  }
0x9c: {  	_ =	strace s5  }
0x9d: {  	_ =	strace $0x8FFFFFFF  }
0x9e: {  	s19 =	sld [smem:$0x3FDB];
	_ =	sdelay $0x1  }
0x9f: {  	s6 =	simm.s32 $_scs_section_size  }
0xa0: {  	s7 =	simm.s32 $_size__tile_overlayer_lowered;
	s8 =	simm.s32 $_tile_overlayer_lowered  }
0xa1: {  	s22 =	simm.s32 $0x1BFF;
	s21 =	sshll.u32 s8, $0x1;
	s5 =	sadd.s32 s6, s19  }
0xa2: {  	s9 =	simm.s32 $0x0;
	s20 =	sshll.u32 s7, $0x1;
	s7 =	sadd.s32 s21, s5  }
0xa3: {  	[timem:s9], [sflag:s22] =	dma.local [hbm:s7], s20  }
0xa4: {  	_ =	swait.ge [sflag:s22], s20  }
0xa5: {  	s6 =	ssub.s32 $0x0, s20;
	[sflag:s22] =	ssyncset.done $0x0  }
0xa6: {  	[sflag:s22] =	ssyncadd.s32 s6;
	_ =	sdelay $0x1  }
0xa7: {  	s23 =	simm.s32 $0x1B8B  }
0xa8: {  	_ =	swait.ge [sflag:s23], $0x1  }
0xa9: {  	[sflag:s23] =	ssyncset.done $0x0  }
0xaa: {  	s25 =	simm.s32 $0x1B8E;
	s24 =	sld [smem:$0x3FFE];
	[sflag:s23] =	ssyncadd.s32 $0xFFFFFFFF  }
0xab: {  	s26 =	simm.s32 $execute0_lowered;
	[smem:$0x3FD2] =	sst s25  }
0xac: {  	s7 =	sshll.u32 s26, $0x1;
	_ =	strace $0x80000046;
	[dreg:$0x1] =	wrdreg $0xFFFFFFFF  }
0xad: {  	s28 =	simm.s32 $_size_execute0_lowered;
	s5 =	sadd.s32 s5, s7;
	[dreg:$0x0] =	wrdreg $0x0  }
0xae: {  	s7 =	sshll.u32 s28, $0x1;
	[dreg:$0x2] =	wrdreg s5  }
0xaf: {  	[dreg:$0x3] =	wrdreg s7  }
0xb0: {  	[dreg:$0x4] =	wrdreg $0xC0  }
0xb1: {  	_ =	task [dreg:s9], $0x5FFFF  }
0xb2: {  	[dreg:$0x1] =	wrdreg $0xFFFFFFFF  }
0xb3: {  	[dreg:$0x0] =	wrdreg $0x60  }
0xb4: {  	[dreg:$0x2] =	wrdreg s15  }
0xb5: {  	[dreg:$0x3] =	wrdreg s17  }
0xb6: {  	[dreg:$0x4] =	wrdreg s16  }
0xb7: {  	[dreg:$0x5] =	wrdreg s24  }
0xb8: {  	[dreg:$0x6] =	wrdreg $0x9  }
0xb9: {  	_ =	task.clear_ibuf [dreg:s9], $0x7FFFF;
	_ =	strace $0x90000046  }
0xba: {  	s29 =	simm.s32 $0x9;
	_ =	strace $0x80000048  }
0xbb: {  	_ =	swait.ge [sflag:s29], $0x1  }
0xbc: {  	[sflag:s29] =	ssyncadd.s32 $0xFFFFFFFF  }
0xbd: {  	_ =	strace $0x90000048  }
0xbe: {  	_ =	sfence  }
0xbf: {  	s30 =	sld [smem:$0x0];
	_ =	sdelay $0x2  }
0xc0: {  	s31 =	sshll.u32 s1, $0xD;
	s1 =	sshrl.u32 s1, $0x2  }
0xc1: {  	s3 =	sand.u32 $0x4000, s31;
	s1 =	sadd.s32 s1, s30  }
0xc2: {  	s0 =	sor.u32 s3, s0;
	s1 =	sshll.u32 s1, $0x11  }
0xc3: {  	s0 =	sor.u32 s1, s0  }
0xc4: {  	s0 =	sadd.s32 $0x8F2B, s0  }
0xc5: {  	[sflag:s0] =	ssyncadd.remote.s32 $0x1  }
0xc6: {  	_ =	sfence.sel $0xFFFF  }
0xc7: {  	[dreg:$0x0] =	wrdreg $0xFFFFFFFF;
	(pc) =	sbr.abs _section_cstart, $3  }
0xc8: {  	[dreg:$0x1] =	wrdreg $0xFFFFFFFF  }
0xc9: {  	_ =	task.clear_ibuf [dreg:s9], $0x2FFFF;
	_ =	strace $0x9FFFFFFF  }
0xca: {  	(tm) =	ssettm $0x7FFFFFFF  }
0xcb: {  	_ =	shalt  }
tec
execute0_lowered:
.L_overlay_start_1:
0x0: {  	(tag) =	ssettag $0x1  }
0x1: {  	s1 =	rddreg [dreg:$0x0]  }
0x2: {  	s2 =	rddreg [dreg:$0x1]  }
0x3: {  	s5 =	rddreg [dreg:$0x2]  }
0x4: {  	s6 =	rddreg [dreg:$0x3]  }
0x5: {  	s0 =	rddreg [dreg:$0x4]  }
0x6: {  	s4 =	simm.s32 $0x0;
	s7 =	srdreg.scid;
	s3 =	stileid.u32  }
0x7: {  	s12 =	simm.s32 $0x1;
	s13 =	simm.s32 $0x5000;
	s14 =	simm.s32 $0x0  }
0x8: {  	[smem:$0x7FF] =	sst s4;
	s7 =	sand.u32 $0x1, s7;
	s8 =	sshll.u32 s3, $0x11  }
0x9: {  	s9 =	sshll.u32 s3, $0xE;
	s29 =	sshll.u32 s3, $0xA;
	_ =	strace $0x80000047  }
0xa: {  	s10 =	ssub.s32 $0x2, s7;
	s8 =	sadd.s32 s8, s6;
	s6 =	sadd.s32 s9, s6  }
0xb: {  	s11 =	sshll.u32 s7, $0x9;
	s30 =	sshll.u32 s7, $0xD;
	s7 =	sshll.u32 s7, $0x10  }
0xc: {  	s28 =	sshrl.u32 s10, $0x1;
	s31 =	sadd.s32 s30, s6;
	s8 =	sadd.s32 s7, s8  }
0xd: {  	s9 =	ssub.s32 s10, s28;
	s10 =	sor.u32 s11, s29;
	s7 =	sadd.s32 $0x1200, s31  }
0xe: {  	s8 =	sadd.s32 $0x41200, s8;
	s11 =	simm.s32 $0x1000;
	s5 =	sadd.s32 s5, s10  }
0xf: {  	s6 =	smax.u32 s9, $0x1;
	s9 =	simm.s32 $0x2;
	s10 =	simm.s32 $0x80  }
.LBB2_1:
0x10: {  	[tilespmem:s4], [sflag:$0x2] =	stream.linear.gather [hbm4b:s5+s4], $0x1000, $0x38;
	[tilespmem:$0x5800] =	vst v63  }
0x11: {  	_ =	swait.ge [sflag:s9], $0x1000  }
0x12: {  	[sflag:s9] =	ssyncset.done $0x0  }
0x13: {  	[sflag:s9] =	ssyncadd.s32 $0xFFFFF000  }
0x14: {  	[tilespmem:s11], [sflag:$0x1] =	stream.indirect.gather [hbm4b:s1+s10], $0x80, s4, s10, $0xb8;
	[tilespmem:$0x5800] =	vst v63  }
0x15: {  	_ =	swait.ge [sflag:s12], $0x4000  }
0x16: {  	[sflag:s12] =	ssyncset.done $0x0  }
0x17: {  	[sflag:s12] =	ssyncadd.s32 $0xFFFFC000  }
0x18: {  	[hbm4b:s8+s4] =	stream.linear.scatter [tilespmem:s11], [sflag:$0x2], $0x4000, $0x38;
	[tilespmem:$0x5800] =	vst v63  }
0x19: {  	_ =	swait.ge [sflag:s9], $0x4000  }
0x1a: {  	[sflag:s9] =	ssyncset.done $0x0  }
0x1b: {  	[sflag:s9] =	ssyncadd.s32 $0xFFFFC000  }
0x1c: {  	[tilespmem:s13], [sflag:$0x1] =	stream.indirect.gather [hbm4b:s2+s10], $0x10, s4, s10, $0xb8;
	[tilespmem:$0x5800] =	vst v63  }
0x1d: {  	_ =	swait.ge [sflag:s12], $0x800  }
0x1e: {  	[sflag:s12] =	ssyncset.done $0x0  }
0x1f: {  	s15 =	sadd.s32 $0x0, s7;
	[sflag:s12] =	ssyncadd.s32 $0xFFFFF800  }
0x20: {  	[hbm4b:s15+s4] =	stream.linear.scatter [tilespmem:s13], [sflag:$0x2], $0x800, $0x38;
	[tilespmem:$0x5800] =	vst v63  }
0x21: {  	s16 =	smov.u32 s8;
	_ =	swait.ge [sflag:s9], $0x800  }
0x22: {  	s17 =	simm.s32 $0x0;
	s15 =	simm.s32 $0x100;
	[sflag:s9] =	ssyncset.done $0x0  }
.LBB2_2:
0x23: {  	[sflag:s9] =	ssyncadd.s32 $0xFFFFF800  }
0x24: {  	s16 =	sadd.s32 $0x800, s16;
	s17 =	sadd.s32 $0x80, s17;
	s18 =	smov.u32 s15  }
0x25: {  	[tilespmem:s11], [sflag:$0x1] =	stream.indirect.gather [hbm4b:s1+s10], $0x80, s17, s10, $0xb8;
	[tilespmem:$0x5800] =	vst v63  }
0x26: {  	p0 =	sne.s32 s15, $0x1F00;
	s15 =	sadd.s32 $0x100, s15;
	_ =	swait.ge [sflag:s12], $0x4000  }
0x27: {  	[sflag:s12] =	ssyncset.done $0x0  }
0x28: {  	[sflag:s12] =	ssyncadd.s32 $0xFFFFC000  }
0x29: {  	[hbm4b:s16+s4] =	stream.linear.scatter [tilespmem:s11], [sflag:$0x2], $0x4000, $0x38;
	[tilespmem:$0x5800] =	vst v63  }
0x2a: {  	_ =	swait.ge [sflag:s9], $0x4000  }
0x2b: {  	[sflag:s9] =	ssyncset.done $0x0  }
0x2c: {  	[sflag:s9] =	ssyncadd.s32 $0xFFFFC000  }
0x2d: {  	[tilespmem:s13], [sflag:$0x1] =	stream.indirect.gather [hbm4b:s2+s10], $0x10, s17, s10, $0xb8;
	[tilespmem:$0x5800] =	vst v63  }
0x2e: {  	_ =	swait.ge [sflag:s12], $0x800  }
.Ltmp0:
0x2f: {  	[sflag:s12] =	ssyncset.done $0x0;
	(pc) =	sbr.rel @p0 .LBB2_2-.Ltmp0, $4  }
0x30: {  	s18 =	sadd.s32 s18, s7;
	[sflag:s12] =	ssyncadd.s32 $0xFFFFF800  }
0x31: {  	[hbm4b:s18+s4] =	stream.linear.scatter [tilespmem:s13], [sflag:$0x2], $0x800, $0x38;
	[tilespmem:$0x5800] =	vst v63  }
0x32: {  	_ =	swait.ge [sflag:s9], $0x800  }
0x33: {  	[sflag:s9] =	ssyncset.done $0x0  }
0x34: {  	s14 =	sadd.s32 $0x1, s14  }
0x35: {  	p0 =	sne.s32 s14, s6  }
.Ltmp1:
0x36: {  	_ = 	snop;
	(pc) =	sbr.rel @p0 .LBB2_1-.Ltmp1, $2  }
0x37: {  	_ =	sdelay $0x2  }
0x38: {  	[sflag:s9] =	ssyncadd.s32 $0xFFFFF800  }
0x39: {  	_ =	sfence.sel $0x180000  }
0x3a: {  	[bflag:$0x0] =	sbarrier.arrive $0xFFFF  }
0x3b: {  	p0 =	sne.s32 s3, $0x0;
	_ =	strace $0x90000047  }
0x3c: {  	s0 =	sadd.s32 @!p0 $0x100000, s0;
	[bflag:$0x2] =	sbarrier.arrive $0xFFFF  }
0x3d: {  	[sflag:s0] =	ssyncadd.tile.s32 @!p0 $0x1;
	_ =	shalt  }
.Lfunc_end2:
_tile_overlayer_lowered:
.L_overlay_start_2:
0x3e: {  	(tag) =	ssettag $0x2  }
0x3f: {  	s0 =	rddreg [dreg:$0x0];
	s2 =	stileid.u32  }
0x40: {  	s1 =	rddreg [dreg:$0x1];
	p0 =	sne.s32 s2, $0x0  }
0x41: {  	s3 =	rddreg [dreg:$0x2];
	[bflag:$0x3] =	sbarrier.arrive $0xFFFF;
	s2 =	simm.s32 @!p0 $0x1C02  }
0x42: {  	[timem:s3], [sflag:s2] =	dma.local @!p0 [hbm:s0], s1  }
0x43: {  	s0 =	simm.s32 @!p0 $0x2  }
0x44: {  	_ =	swait.ge @!p0 [sflag:s0], s1  }
0x45: {  	s1 =	ssub.s32 @!p0 $0x0, s1;
	[sflag:s0] =	ssyncset.done @!p0 $0x0  }
0x46: {  	[sflag:s0] =	ssyncadd.s32 @!p0 s1  }
0x47: {  	[bflag:$0x3] =	sbarrier.arrive $0xFFFF  }
0x48: {  	_ =	shalt  }

</sc_bundles>
